<compile_context>
chip_gen: v7x
topology: tpu7x:2x2x1
jax: 0.10.2.dev20260603
libtpu: 0.0.44.dev20260713+nightly
codegen_flags: <defaults>
</compile_context>

<pallas_src>
import functools

import jax
import jax.numpy as jnp
from jax import lax
from jax.experimental import pallas as pl
from jax.experimental.pallas import tpu as pltpu
from jax.experimental.pallas import tpu_sc as plsc

N = 10000
D = 128
H = 32
E = 320000

NPAD = 10240
NW = 32
K = 128
NBATCH = 79
NBATCH1 = 157
EPAD1 = 16 * NBATCH1 * K
EPW = NBATCH * K
EPAD = NW * EPW
ROWS_PER_TILE = NPAD // 16
BM = 1024


@functools.lru_cache(maxsize=None)
def _make_segsum(C):
    mesh = plsc.VectorSubcoreMesh(core_axis_name="c", subcore_axis_name="s")

    @functools.partial(
        pl.kernel,
        out_type=jax.ShapeDtypeStruct((2, NPAD, C), jnp.float32),
        mesh=mesh,
        scratch_types=[
            pltpu.VMEM((NBATCH, K), jnp.int32),
            pltpu.VMEM((NBATCH, K), jnp.int32),
            pltpu.VMEM((2, K, C), jnp.float32),
            pltpu.VMEM_SHARED((NPAD, C), jnp.float32),
            pltpu.SemaphoreType.DMA,
            pltpu.SemaphoreType.DMA,
        ],
        compiler_params=pltpu.CompilerParams(use_tc_tiling_on_sc=False),
    )
    def seg(table_hbm, src_hbm, dst_hbm, zeros_hbm, out_hbm,
            src_v, dst_v, rows_v, acc_sh, sem0, sem1):
        c = lax.axis_index("c")
        s = lax.axis_index("s")
        w = c * 16 + s
        r0 = s * ROWS_PER_TILE
        pltpu.sync_copy(zeros_hbm.at[pl.ds(r0, ROWS_PER_TILE)],
                        acc_sh.at[pl.ds(r0, ROWS_PER_TILE)])
        pltpu.sync_copy(src_hbm.at[w], src_v)
        pltpu.sync_copy(dst_hbm.at[w], dst_v)
        plsc.subcore_barrier()

        pltpu.async_copy(table_hbm.at[src_v.at[0]], rows_v.at[0], sem0)

        def body2(i, _):
            j0 = i * 2

            @pl.when(j0 + 1 < NBATCH)
            def _g1():
                pltpu.async_copy(table_hbm.at[src_v.at[j0 + 1]],
                                 rows_v.at[1], sem1)
            pltpu.make_async_copy(table_hbm.at[src_v.at[j0]],
                                  rows_v.at[0], sem0).wait()
            pltpu.sync_copy(rows_v.at[0], acc_sh.at[dst_v.at[j0]], add=True)

            @pl.when(j0 + 2 < NBATCH)
            def _g2():
                pltpu.async_copy(table_hbm.at[src_v.at[j0 + 2]],
                                 rows_v.at[0], sem0)

            @pl.when(j0 + 1 < NBATCH)
            def _s2():
                pltpu.make_async_copy(table_hbm.at[src_v.at[j0 + 1]],
                                      rows_v.at[1], sem1).wait()
                pltpu.sync_copy(rows_v.at[1], acc_sh.at[dst_v.at[j0 + 1]],
                                add=True)
            return 0

        lax.fori_loop(0, (NBATCH + 1) // 2, body2, 0)
        plsc.subcore_barrier()
        pltpu.sync_copy(acc_sh.at[pl.ds(r0, ROWS_PER_TILE)],
                        out_hbm.at[c, pl.ds(r0, ROWS_PER_TILE)])

    return seg


@functools.lru_cache(maxsize=None)
def _make_segsum_colsplit():
    CH = D // 2
    mesh = plsc.VectorSubcoreMesh(core_axis_name="c", subcore_axis_name="s")

    @functools.partial(
        pl.kernel,
        out_type=jax.ShapeDtypeStruct((2, NPAD, CH), jnp.float32),
        mesh=mesh,
        scratch_types=[
            pltpu.VMEM((NBATCH1, K), jnp.int32),
            pltpu.VMEM((NBATCH1, K), jnp.int32),
            pltpu.VMEM((2, K, CH), jnp.float32),
            pltpu.VMEM_SHARED((NPAD, CH), jnp.float32),
            pltpu.SemaphoreType.DMA,
            pltpu.SemaphoreType.DMA,
        ],
        compiler_params=pltpu.CompilerParams(use_tc_tiling_on_sc=False),
    )
    def seg(tlo_hbm, thi_hbm, src_hbm, dst_hbm, zeros_hbm, out_hbm,
            src_v, dst_v, rows_v, acc_sh, sem0, sem1):
        c = lax.axis_index("c")
        s = lax.axis_index("s")
        r0 = s * ROWS_PER_TILE
        pltpu.sync_copy(zeros_hbm.at[pl.ds(r0, ROWS_PER_TILE)],
                        acc_sh.at[pl.ds(r0, ROWS_PER_TILE)])
        pltpu.sync_copy(src_hbm.at[s], src_v)
        pltpu.sync_copy(dst_hbm.at[s], dst_v)
        plsc.subcore_barrier()

        def run(table_hbm):
            pltpu.async_copy(table_hbm.at[src_v.at[0]], rows_v.at[0], sem0)

            def body2(i, _):
                j0 = i * 2

                @pl.when(j0 + 1 < NBATCH1)
                def _g1():
                    pltpu.async_copy(table_hbm.at[src_v.at[j0 + 1]],
                                     rows_v.at[1], sem1)
                pltpu.make_async_copy(table_hbm.at[src_v.at[j0]],
                                      rows_v.at[0], sem0).wait()
                pltpu.sync_copy(rows_v.at[0], acc_sh.at[dst_v.at[j0]],
                                add=True)

                @pl.when(j0 + 2 < NBATCH1)
                def _g2():
                    pltpu.async_copy(table_hbm.at[src_v.at[j0 + 2]],
                                     rows_v.at[0], sem0)

                @pl.when(j0 + 1 < NBATCH1)
                def _s2():
                    pltpu.make_async_copy(table_hbm.at[src_v.at[j0 + 1]],
                                          rows_v.at[1], sem1).wait()
                    pltpu.sync_copy(rows_v.at[1], acc_sh.at[dst_v.at[j0 + 1]],
                                    add=True)
                return 0

            lax.fori_loop(0, (NBATCH1 + 1) // 2, body2, 0)

        @pl.when(c == 0)
        def _lo():
            run(tlo_hbm)

        @pl.when(c == 1)
        def _hi():
            run(thi_hbm)

        plsc.subcore_barrier()
        pltpu.sync_copy(acc_sh.at[pl.ds(r0, ROWS_PER_TILE)],
                        out_hbm.at[c, pl.ds(r0, ROWS_PER_TILE)])

    return seg


def _dot(a, b):
    return jnp.dot(a, b, preferred_element_type=jnp.float32)


def _mlp(x_in, sa, sb, ba, Wa, bb, Wb):
    CI = x_in.shape[1]

    def body(x_ref, sa_ref, sb_ref, ba_ref, wa_ref, bb_ref, wb_ref, o_ref):
        agg = x_ref[...] + sa_ref[...] + sb_ref[...]
        h = jnp.maximum(_dot(agg, wa_ref[...]) + ba_ref[...], 0.0)
        o_ref[...] = _dot(h, wb_ref[...]) + bb_ref[...]

    return pl.pallas_call(
        body,
        grid=(NPAD // BM,),
        in_specs=[pl.BlockSpec((BM, CI), lambda i: (i, 0)),
                  pl.BlockSpec((BM, CI), lambda i: (i, 0)),
                  pl.BlockSpec((BM, CI), lambda i: (i, 0)),
                  pl.BlockSpec((1, H), lambda i: (0, 0)),
                  pl.BlockSpec((CI, H), lambda i: (0, 0)),
                  pl.BlockSpec((1, H), lambda i: (0, 0)),
                  pl.BlockSpec((H, H), lambda i: (0, 0))],
        out_specs=pl.BlockSpec((BM, H), lambda i: (i, 0)),
        out_shape=jax.ShapeDtypeStruct((NPAD, H), jnp.float32),
    )(x_in, sa, sb, ba, Wa, bb, Wb)


def _mlp1(x_in, slo, shi, ba, Wa, bb, Wb):
    CH = D // 2

    def body(x_ref, lo_ref, hi_ref, ba_ref, wa_ref, bb_ref, wb_ref, o_ref):
        agg = x_ref[...] + jnp.concatenate([lo_ref[...], hi_ref[...]], axis=1)
        h = jnp.maximum(_dot(agg, wa_ref[...]) + ba_ref[...], 0.0)
        o_ref[...] = _dot(h, wb_ref[...]) + bb_ref[...]

    return pl.pallas_call(
        body,
        grid=(NPAD // BM,),
        in_specs=[pl.BlockSpec((BM, D), lambda i: (i, 0)),
                  pl.BlockSpec((BM, CH), lambda i: (i, 0)),
                  pl.BlockSpec((BM, CH), lambda i: (i, 0)),
                  pl.BlockSpec((1, H), lambda i: (0, 0)),
                  pl.BlockSpec((D, H), lambda i: (0, 0)),
                  pl.BlockSpec((1, H), lambda i: (0, 0)),
                  pl.BlockSpec((H, H), lambda i: (0, 0))],
        out_specs=pl.BlockSpec((BM, H), lambda i: (i, 0)),
        out_shape=jax.ShapeDtypeStruct((NPAD, H), jnp.float32),
    )(x_in, slo, shi, ba, Wa, bb, Wb)


def _final(h2, sa, sb, W3, b3):
    def body(h_ref, sa_ref, sb_ref, w_ref, b_ref, o_ref):
        agg = h_ref[...] + sa_ref[...] + sb_ref[...]
        o_ref[...] = _dot(agg, w_ref[...]) + b_ref[...]
    return pl.pallas_call(
        body,
        grid=(NPAD // BM,),
        in_specs=[pl.BlockSpec((BM, H), lambda i: (i, 0)),
                  pl.BlockSpec((BM, H), lambda i: (i, 0)),
                  pl.BlockSpec((BM, H), lambda i: (i, 0)),
                  pl.BlockSpec((H, 1), lambda i: (0, 0)),
                  pl.BlockSpec((1, 1), lambda i: (0, 0))],
        out_specs=pl.BlockSpec((BM, 1), lambda i: (i, 0)),
        out_shape=jax.ShapeDtypeStruct((NPAD, 1), jnp.float32),
    )(h2, sa, sb, W3, b3)


def kernel(x, edge_index, W1a, b1a, W1b, b1b, W2a, b2a, W2b, b2b, W3, b3):
    src = edge_index[0]
    dst = edge_index[1]
    pad = EPAD - E
    src3 = jnp.concatenate(
        [src, jnp.zeros((pad,), jnp.int32)]).reshape(NW, NBATCH, K)
    dst3 = jnp.concatenate(
        [dst, jnp.full((pad,), N, jnp.int32)]).reshape(NW, NBATCH, K)
    pad1 = EPAD1 - E
    src4 = jnp.concatenate(
        [src, jnp.zeros((pad1,), jnp.int32)]).reshape(16, NBATCH1, K)
    dst4 = jnp.concatenate(
        [dst, jnp.full((pad1,), N, jnp.int32)]).reshape(16, NBATCH1, K)

    x_pad = jnp.pad(x, ((0, NPAD - N), (0, 0)))
    zeros64 = jnp.zeros((NPAD, D // 2), jnp.float32)
    zeros32 = jnp.zeros((NPAD, H), jnp.float32)

    s1 = _make_segsum_colsplit()(
        x_pad[:, :D // 2], x_pad[:, D // 2:], src4, dst4, zeros64)
    h1 = _mlp1(x_pad, s1[0], s1[1], b1a.reshape(1, H), W1a,
               b1b.reshape(1, H), W1b)
    s2 = _make_segsum(H)(h1, src3, dst3, zeros32)
    h2 = _mlp(h1, s2[0], s2[1], b2a.reshape(1, H), W2a,
              b2b.reshape(1, H), W2b)
    s3 = _make_segsum(H)(h2, src3, dst3, zeros32)
    out = _final(h2, s3[0], s3[1], W3, b3.reshape(1, 1))
    return out[:N]

# --- scband reference (transcript-rebuilt; emitter-appended) ---
"""Pipeline reference for scband-gin-27908697489545 (READ-ONLY COPY).

The authoritative reference and input builder live on the scoring server;
editing this copy changes nothing except your own understanding.
"""

import jax, jax.numpy as jnp
import numpy as np

N = 10000
E = 320000
D = 128
H = 32


def setup_inputs(seed: int = 0) -> dict:
    key = jax.random.key(seed)
    ks = jax.random.split(key, 12)
    x = jax.random.normal(ks[0], (N, D), dtype=jnp.float32)
    edge_index = jax.random.randint(ks[1], (2, E), 0, N)
    # MLP params for GINConv layers (eps=0, train_eps=False by PyG default)
    W1a = jax.random.normal(ks[2], (D, H), dtype=jnp.float32) * 0.05
    b1a = jnp.zeros((H,), dtype=jnp.float32)
    W1b = jax.random.normal(ks[3], (H, H), dtype=jnp.float32) * 0.05
    b1b = jnp.zeros((H,), dtype=jnp.float32)
    W2a = jax.random.normal(ks[4], (H, H), dtype=jnp.float32) * 0.05
    b2a = jnp.zeros((H,), dtype=jnp.float32)
    W2b = jax.random.normal(ks[5], (H, H), dtype=jnp.float32) * 0.05
    b2b = jnp.zeros((H,), dtype=jnp.float32)
    W3 = jax.random.normal(ks[6], (H, 1), dtype=jnp.float32) * 0.05
    b3 = jnp.zeros((1,), dtype=jnp.float32)
    return {"x": x, "edge_index": edge_index, "W1a": W1a, "b1a": b1a,
            "W1b": W1b, "b1b": b1b, "W2a": W2a, "b2a": b2a,
            "W2b": W2b, "b2b": b2b, "W3": W3, "b3": b3}


def reference(x, edge_index, W1a, b1a, W1b, b1b, W2a, b2a, W2b, b2b, W3, b3):
    src = edge_index[0]
    dst = edge_index[1]

    def gin_agg(h):
        # GINConv with eps=0: (1+eps)*x_i + sum_{j in N(i)} x_j
        msgs = jnp.take(h, src, axis=0)
        agg = jax.ops.segment_sum(msgs, dst, num_segments=N)
        return h + agg

    # conv1: Linear(D,H) -> ReLU -> Linear(H,H)
    h = gin_agg(x)
    h = jnp.maximum(h @ W1a + b1a, 0.0) @ W1b + b1b
    # dropout is identity in eval mode
    # conv2: Linear(H,H) -> ReLU -> Linear(H,H)
    h = gin_agg(h)
    h = jnp.maximum(h @ W2a + b2a, 0.0) @ W2b + b2b
    # conv3: Linear(H,1)
    h = gin_agg(h)
    out = h @ W3 + b3
    return out

if __name__ == "__main__":
    import jax
    _d = setup_inputs()
    print(jax.jit(kernel)(*tuple(_d.values())))

</pallas_src>

<mosaic_0001>
#map = affine_map<(d0, d1) -> (0, 0)>
#map1 = affine_map<(d0, d1) -> (0, 0, 0)>
module attributes {stable_mosaic.version = 14 : i64} {
  func.func @seg(%arg0: i32, %arg1: i32, %arg2: memref<10240x32xf32, #tpu.memory_space<hbm>>, %arg3: memref<32x79x128xi32, #tpu.memory_space<hbm>>, %arg4: memref<32x79x128xi32, #tpu.memory_space<hbm>>, %arg5: memref<10240x32xf32, #tpu.memory_space<hbm>>, %arg6: memref<2x10240x32xf32, #tpu.memory_space<hbm>>, %arg7: memref<79x128xi32, #tpu.memory_space<vmem>>, %arg8: memref<79x128xi32, #tpu.memory_space<vmem>>, %arg9: memref<2x128x32xf32, #tpu.memory_space<vmem>>, %arg10: memref<10240x32xf32, #tpu.memory_space<vmem_shared>>, %arg11: memref<!tpu.dma_semaphore, #tpu.memory_space<semaphore_mem>>, %arg12: memref<!tpu.dma_semaphore, #tpu.memory_space<semaphore_mem>>) attributes {dimension_semantics = [#tpu.dimension_semantics<core_parallel>, #tpu.dimension_semantics<subcore_parallel>], iteration_bounds = array<i64: 2, 16>, scalar_prefetch = 0 : i64, scratch_operands = 6 : i64, tpu.core_type = #tpu.core_type<sc_vector_subcore>, window_params = [{transform_indices = #map}, {transform_indices = #map1}, {transform_indices = #map1}, {transform_indices = #map}, {transform_indices = #map1}]} {
    %mul3A = arith.constant 16 : i32
    %mul3A_0 = arith.muli %arg0, %mul3A : i32
    %add3A = arith.addi %mul3A_0, %arg1 : i32
    %mul3A_1 = arith.constant 640 : i32
    %mul3A_2 = arith.muli %arg1, %mul3A_1 : i32
    "tpu.region"() ({
      %run_scoped3A = tpu.sem_alloc : memref<!tpu.dma_semaphore, #tpu.memory_space<semaphore_mem>>
      %dma_start3A_21 = arith.constant 0 : i32
      %dma_start3A_22 = tpu.memref_slice %arg10[%mul3A_2, %dma_start3A_21] : memref<10240x32xf32, #tpu.memory_space<vmem_shared>> -> memref<640x32xf32, #tpu.memory_space<vmem_shared>>
      %dma_start3A_23 = arith.constant 0 : i32
      %dma_start3A_24 = tpu.memref_slice %arg5[%mul3A_2, %dma_start3A_23] : memref<10240x32xf32, #tpu.memory_space<hbm>> -> memref<640x32xf32, #tpu.memory_space<hbm>>
      tpu.enqueue_dma source(%dma_start3A_24 : memref<640x32xf32, #tpu.memory_space<hbm>>) target(%dma_start3A_22 : memref<640x32xf32, #tpu.memory_space<vmem_shared>>) target_semaphore(%run_scoped3A : memref<!tpu.dma_semaphore, #tpu.memory_space<semaphore_mem>>)
      %dma_wait3A = arith.constant 0 : i32
      %dma_wait3A_25 = tpu.memref_slice %arg10[%mul3A_2, %dma_wait3A] : memref<10240x32xf32, #tpu.memory_space<vmem_shared>> -> memref<640x32xf32, #tpu.memory_space<vmem_shared>>
      %dma_wait3A_26 = arith.constant 0 : i32
      %dma_wait3A_27 = tpu.memref_slice %arg5[%mul3A_2, %dma_wait3A_26] : memref<10240x32xf32, #tpu.memory_space<hbm>> -> memref<640x32xf32, #tpu.memory_space<hbm>>
      tpu.wait_dma2 semaphore(%run_scoped3A : memref<!tpu.dma_semaphore, #tpu.memory_space<semaphore_mem>>) src(%dma_wait3A_27 : memref<640x32xf32, #tpu.memory_space<hbm>>) dst(%dma_wait3A_25 : memref<640x32xf32, #tpu.memory_space<vmem_shared>>)
      tpu.yield
    }) : () -> ()
    "tpu.region"() ({
      %run_scoped3A = tpu.sem_alloc : memref<!tpu.dma_semaphore, #tpu.memory_space<semaphore_mem>>
      %dma_start3A_21 = arith.constant 0 : i32
      %dma_start3A_22 = arith.constant 0 : i32
      %dma_start3A_23 = tpu.memref_slice %arg3[%add3A, %dma_start3A_21, %dma_start3A_22] : memref<32x79x128xi32, #tpu.memory_space<hbm>> -> memref<1x79x128xi32, #tpu.memory_space<hbm>>
      %dma_start3A_24 = tpu.memref_squeeze %dma_start3A_23 : memref<1x79x128xi32, #tpu.memory_space<hbm>> -> memref<79x128xi32, #tpu.memory_space<hbm>>
      %dma_start3A_25 = arith.constant 0 : i32
      %dma_start3A_26 = arith.constant 0 : i32
      %dma_start3A_27 = tpu.memref_slice %arg3[%add3A, %dma_start3A_25, %dma_start3A_26] : memref<32x79x128xi32, #tpu.memory_space<hbm>> -> memref<1x79x128xi32, #tpu.memory_space<hbm>>
      %dma_start3A_28 = tpu.memref_squeeze %dma_start3A_27 : memref<1x79x128xi32, #tpu.memory_space<hbm>> -> memref<79x128xi32, #tpu.memory_space<hbm>>
      tpu.enqueue_dma source(%dma_start3A_28 : memref<79x128xi32, #tpu.memory_space<hbm>>) target(%arg7 : memref<79x128xi32, #tpu.memory_space<vmem>>) target_semaphore(%run_scoped3A : memref<!tpu.dma_semaphore, #tpu.memory_space<semaphore_mem>>)
      %dma_wait3A = arith.constant 0 : i32
      %dma_wait3A_29 = arith.constant 0 : i32
      %dma_wait3A_30 = tpu.memref_slice %arg3[%add3A, %dma_wait3A, %dma_wait3A_29] : memref<32x79x128xi32, #tpu.memory_space<hbm>> -> memref<1x79x128xi32, #tpu.memory_space<hbm>>
      %dma_wait3A_31 = tpu.memref_squeeze %dma_wait3A_30 : memref<1x79x128xi32, #tpu.memory_space<hbm>> -> memref<79x128xi32, #tpu.memory_space<hbm>>
      %dma_wait3A_32 = arith.constant 0 : i32
      %dma_wait3A_33 = arith.constant 0 : i32
      %dma_wait3A_34 = tpu.memref_slice %arg3[%add3A, %dma_wait3A_32, %dma_wait3A_33] : memref<32x79x128xi32, #tpu.memory_space<hbm>> -> memref<1x79x128xi32, #tpu.memory_space<hbm>>
      %dma_wait3A_35 = tpu.memref_squeeze %dma_wait3A_34 : memref<1x79x128xi32, #tpu.memory_space<hbm>> -> memref<79x128xi32, #tpu.memory_space<hbm>>
      tpu.wait_dma2 semaphore(%run_scoped3A : memref<!tpu.dma_semaphore, #tpu.memory_space<semaphore_mem>>) src(%dma_wait3A_35 : memref<79x128xi32, #tpu.memory_space<hbm>>) dst(%arg7 : memref<79x128xi32, #tpu.memory_space<vmem>>)
      tpu.yield
    }) : () -> ()
    "tpu.region"() ({
      %run_scoped3A = tpu.sem_alloc : memref<!tpu.dma_semaphore, #tpu.memory_space<semaphore_mem>>
      %dma_start3A_21 = arith.constant 0 : i32
      %dma_start3A_22 = arith.constant 0 : i32
      %dma_start3A_23 = tpu.memref_slice %arg4[%add3A, %dma_start3A_21, %dma_start3A_22] : memref<32x79x128xi32, #tpu.memory_space<hbm>> -> memref<1x79x128xi32, #tpu.memory_space<hbm>>
      %dma_start3A_24 = tpu.memref_squeeze %dma_start3A_23 : memref<1x79x128xi32, #tpu.memory_space<hbm>> -> memref<79x128xi32, #tpu.memory_space<hbm>>
      %dma_start3A_25 = arith.constant 0 : i32
      %dma_start3A_26 = arith.constant 0 : i32
      %dma_start3A_27 = tpu.memref_slice %arg4[%add3A, %dma_start3A_25, %dma_start3A_26] : memref<32x79x128xi32, #tpu.memory_space<hbm>> -> memref<1x79x128xi32, #tpu.memory_space<hbm>>
      %dma_start3A_28 = tpu.memref_squeeze %dma_start3A_27 : memref<1x79x128xi32, #tpu.memory_space<hbm>> -> memref<79x128xi32, #tpu.memory_space<hbm>>
      tpu.enqueue_dma source(%dma_start3A_28 : memref<79x128xi32, #tpu.memory_space<hbm>>) target(%arg8 : memref<79x128xi32, #tpu.memory_space<vmem>>) target_semaphore(%run_scoped3A : memref<!tpu.dma_semaphore, #tpu.memory_space<semaphore_mem>>)
      %dma_wait3A = arith.constant 0 : i32
      %dma_wait3A_29 = arith.constant 0 : i32
      %dma_wait3A_30 = tpu.memref_slice %arg4[%add3A, %dma_wait3A, %dma_wait3A_29] : memref<32x79x128xi32, #tpu.memory_space<hbm>> -> memref<1x79x128xi32, #tpu.memory_space<hbm>>
      %dma_wait3A_31 = tpu.memref_squeeze %dma_wait3A_30 : memref<1x79x128xi32, #tpu.memory_space<hbm>> -> memref<79x128xi32, #tpu.memory_space<hbm>>
      %dma_wait3A_32 = arith.constant 0 : i32
      %dma_wait3A_33 = arith.constant 0 : i32
      %dma_wait3A_34 = tpu.memref_slice %arg4[%add3A, %dma_wait3A_32, %dma_wait3A_33] : memref<32x79x128xi32, #tpu.memory_space<hbm>> -> memref<1x79x128xi32, #tpu.memory_space<hbm>>
      %dma_wait3A_35 = tpu.memref_squeeze %dma_wait3A_34 : memref<1x79x128xi32, #tpu.memory_space<hbm>> -> memref<79x128xi32, #tpu.memory_space<hbm>>
      tpu.wait_dma2 semaphore(%run_scoped3A : memref<!tpu.dma_semaphore, #tpu.memory_space<semaphore_mem>>) src(%dma_wait3A_35 : memref<79x128xi32, #tpu.memory_space<hbm>>) dst(%arg8 : memref<79x128xi32, #tpu.memory_space<vmem>>)
      tpu.yield
    }) : () -> ()
    %barrier3A = arith.constant 0 : index
    tpu.barrier barrier_id(%barrier3A)
    %dma_start3A = arith.constant 0 : i32
    %dma_start3A_3 = arith.constant 0 : i32
    %dma_start3A_4 = arith.constant 0 : i32
    %dma_start3A_5 = arith.constant 0 : i32
    %dma_start3A_6 = tpu.memref_slice %arg9[%dma_start3A_3, %dma_start3A_4, %dma_start3A_5] : memref<2x128x32xf32, #tpu.memory_space<vmem>> -> memref<1x128x32xf32, #tpu.memory_space<vmem>>
    %dma_start3A_7 = tpu.memref_squeeze %dma_start3A_6 : memref<1x128x32xf32, #tpu.memory_space<vmem>> -> memref<128x32xf32, #tpu.memory_space<vmem>>
    %dma_start3A_8 = arith.constant 0 : i32
    %dma_start3A_9 = tpu.memref_slice %arg7[%dma_start3A, %dma_start3A_8] : memref<79x128xi32, #tpu.memory_space<vmem>> -> memref<1x128xi32, #tpu.memory_space<vmem>>
    %dma_start3A_10 = tpu.memref_squeeze %dma_start3A_9 : memref<1x128xi32, #tpu.memory_space<vmem>> -> memref<128xi32, #tpu.memory_space<vmem>>
    %dma_start3A_11 = arith.constant 0 : i32
    %dma_start3A_12 = arith.constant 0 : i32
    %dma_start3A_13 = tpu.memref_slice %arg2[%dma_start3A_11, %dma_start3A_12] : memref<10240x32xf32, #tpu.memory_space<hbm>> -> memref<10240x32xf32, #tpu.memory_space<hbm>>
    tpu.enqueue_indirect_dma source(%dma_start3A_13 : memref<10240x32xf32, #tpu.memory_space<hbm>>) target(%dma_start3A_7 : memref<128x32xf32, #tpu.memory_space<vmem>>) offsets(%dma_start3A_10 : memref<128xi32, #tpu.memory_space<vmem>>) semaphore(%arg11 : memref<!tpu.dma_semaphore, #tpu.memory_space<semaphore_mem>>)
    %scan3A = arith.constant 0 : i32
    %scan3A_14 = arith.constant 0 : i32
    %scan3A_15 = arith.constant 40 : i32
    %scan3A_16 = arith.addi %scan3A_14, %scan3A_15 : i32
    %scan3A_17 = arith.constant 1 : i32
    %scan3A_18 = scf.for %scan3A_21 = %scan3A_14 to %scan3A_16 step %scan3A_17 iter_args(%scan3A_22 = %scan3A) -> (i32)  : i32 {
      %mul3A_23 = arith.constant 2 : i32
      %mul3A_24 = arith.muli %scan3A_21, %mul3A_23 : i32
      %add3A_25 = arith.constant 1 : i32
      %add3A_26 = arith.addi %mul3A_24, %add3A_25 : i32
      %lt3A = arith.constant 79 : i32
      %lt3A_27 = arith.cmpi slt, %add3A_26, %lt3A : i32
      %convert_element_type3A = arith.extui %lt3A_27 : i1 to i32
      %cond3A = arith.constant 0 : i32
      %cond3A_28 = arith.cmpi ne, %convert_element_type3A, %cond3A : i32
      scf.if %cond3A_28 {
        %add3A_54 = arith.constant 1 : i32
        %add3A_55 = arith.addi %mul3A_24, %add3A_54 : i32
        %dma_start3A_56 = arith.constant 1 : i32
        %dma_start3A_57 = arith.constant 0 : i32
        %dma_start3A_58 = arith.constant 0 : i32
        %dma_start3A_59 = tpu.memref_slice %arg9[%dma_start3A_56, %dma_start3A_57, %dma_start3A_58] : memref<2x128x32xf32, #tpu.memory_space<vmem>> -> memref<1x128x32xf32, #tpu.memory_space<vmem>>
        %dma_start3A_60 = tpu.memref_squeeze %dma_start3A_59 : memref<1x128x32xf32, #tpu.memory_space<vmem>> -> memref<128x32xf32, #tpu.memory_space<vmem>>
        %dma_start3A_61 = arith.constant 0 : i32
        %dma_start3A_62 = tpu.memref_slice %arg7[%add3A_55, %dma_start3A_61] : memref<79x128xi32, #tpu.memory_space<vmem>> -> memref<1x128xi32, #tpu.memory_space<vmem>>
        %dma_start3A_63 = tpu.memref_squeeze %dma_start3A_62 : memref<1x128xi32, #tpu.memory_space<vmem>> -> memref<128xi32, #tpu.memory_space<vmem>>
        %dma_start3A_64 = arith.constant 0 : i32
        %dma_start3A_65 = arith.constant 0 : i32
        %dma_start3A_66 = tpu.memref_slice %arg2[%dma_start3A_64, %dma_start3A_65] : memref<10240x32xf32, #tpu.memory_space<hbm>> -> memref<10240x32xf32, #tpu.memory_space<hbm>>
        tpu.enqueue_indirect_dma source(%dma_start3A_66 : memref<10240x32xf32, #tpu.memory_space<hbm>>) target(%dma_start3A_60 : memref<128x32xf32, #tpu.memory_space<vmem>>) offsets(%dma_start3A_63 : memref<128xi32, #tpu.memory_space<vmem>>) semaphore(%arg12 : memref<!tpu.dma_semaphore, #tpu.memory_space<semaphore_mem>>)
      } else {
      }
      %dma_wait3A = arith.constant 0 : i32
      %dma_wait3A_29 = arith.constant 0 : i32
      %dma_wait3A_30 = arith.constant 0 : i32
      %dma_wait3A_31 = tpu.memref_slice %arg9[%dma_wait3A, %dma_wait3A_29, %dma_wait3A_30] : memref<2x128x32xf32, #tpu.memory_space<vmem>> -> memref<1x128x32xf32, #tpu.memory_space<vmem>>
      %dma_wait3A_32 = tpu.memref_squeeze %dma_wait3A_31 : memref<1x128x32xf32, #tpu.memory_space<vmem>> -> memref<128x32xf32, #tpu.memory_space<vmem>>
      %dma_wait3A_33 = arith.constant 0 : i32
      %dma_wait3A_34 = tpu.memref_slice %arg7[%mul3A_24, %dma_wait3A_33] : memref<79x128xi32, #tpu.memory_space<vmem>> -> memref<1x128xi32, #tpu.memory_space<vmem>>
      %dma_wait3A_35 = tpu.memref_squeeze %dma_wait3A_34 : memref<1x128xi32, #tpu.memory_space<vmem>> -> memref<128xi32, #tpu.memory_space<vmem>>
      %dma_wait3A_36 = arith.constant 0 : i32
      %dma_wait3A_37 = arith.constant 0 : i32
      %dma_wait3A_38 = tpu.memref_slice %arg2[%dma_wait3A_36, %dma_wait3A_37] : memref<10240x32xf32, #tpu.memory_space<hbm>> -> memref<10240x32xf32, #tpu.memory_space<hbm>>
      tpu.wait_indirect_dma semaphore(%arg11 : memref<!tpu.dma_semaphore, #tpu.memory_space<semaphore_mem>>) src(%dma_wait3A_38 : memref<10240x32xf32, #tpu.memory_space<hbm>>) dst(%dma_wait3A_32 : memref<128x32xf32, #tpu.memory_space<vmem>>)
      %run_scoped3A = arith.constant 0 : i32
      "tpu.region"() ({
        %run_scoped3A_54 = tpu.sem_alloc : memref<!tpu.dma_semaphore, #tpu.memory_space<semaphore_mem>>
        %dma_start3A_55 = arith.constant 0 : i32
        %dma_start3A_56 = arith.constant 0 : i32
        %dma_start3A_57 = tpu.memref_slice %arg9[%run_scoped3A, %dma_start3A_55, %dma_start3A_56] : memref<2x128x32xf32, #tpu.memory_space<vmem>> -> memref<1x128x32xf32, #tpu.memory_space<vmem>>
        %dma_start3A_58 = tpu.memref_squeeze %dma_start3A_57 : memref<1x128x32xf32, #tpu.memory_space<vmem>> -> memref<128x32xf32, #tpu.memory_space<vmem>>
        %dma_start3A_59 = arith.constant 0 : i32
        %dma_start3A_60 = tpu.memref_slice %arg8[%mul3A_24, %dma_start3A_59] : memref<79x128xi32, #tpu.memory_space<vmem>> -> memref<1x128xi32, #tpu.memory_space<vmem>>
        %dma_start3A_61 = tpu.memref_squeeze %dma_start3A_60 : memref<1x128xi32, #tpu.memory_space<vmem>> -> memref<128xi32, #tpu.memory_space<vmem>>
        %dma_start3A_62 = arith.constant 0 : i32
        %dma_start3A_63 = arith.constant 0 : i32
        %dma_start3A_64 = tpu.memref_slice %arg10[%dma_start3A_62, %dma_start3A_63] : memref<10240x32xf32, #tpu.memory_space<vmem_shared>> -> memref<10240x32xf32, #tpu.memory_space<vmem_shared>>
        tpu.enqueue_indirect_dma source(%dma_start3A_58 : memref<128x32xf32, #tpu.memory_space<vmem>>) target(%dma_start3A_64 : memref<10240x32xf32, #tpu.memory_space<vmem_shared>>) offsets(%dma_start3A_61 : memref<128xi32, #tpu.memory_space<vmem>>) semaphore(%run_scoped3A_54 : memref<!tpu.dma_semaphore, #tpu.memory_space<semaphore_mem>>) {add = true}
        %dma_wait3A_65 = arith.constant 0 : i32
        %dma_wait3A_66 = arith.constant 0 : i32
        %dma_wait3A_67 = tpu.memref_slice %arg9[%run_scoped3A, %dma_wait3A_65, %dma_wait3A_66] : memref<2x128x32xf32, #tpu.memory_space<vmem>> -> memref<1x128x32xf32, #tpu.memory_space<vmem>>
        %dma_wait3A_68 = tpu.memref_squeeze %dma_wait3A_67 : memref<1x128x32xf32, #tpu.memory_space<vmem>> -> memref<128x32xf32, #tpu.memory_space<vmem>>
        %dma_wait3A_69 = arith.constant 0 : i32
        %dma_wait3A_70 = tpu.memref_slice %arg8[%mul3A_24, %dma_wait3A_69] : memref<79x128xi32, #tpu.memory_space<vmem>> -> memref<1x128xi32, #tpu.memory_space<vmem>>
        %dma_wait3A_71 = tpu.memref_squeeze %dma_wait3A_70 : memref<1x128xi32, #tpu.memory_space<vmem>> -> memref<128xi32, #tpu.memory_space<vmem>>
        %dma_wait3A_72 = arith.constant 0 : i32
        %dma_wait3A_73 = arith.constant 0 : i32
        %dma_wait3A_74 = tpu.memref_slice %arg10[%dma_wait3A_72, %dma_wait3A_73] : memref<10240x32xf32, #tpu.memory_space<vmem_shared>> -> memref<10240x32xf32, #tpu.memory_space<vmem_shared>>
        tpu.wait_indirect_dma semaphore(%run_scoped3A_54 : memref<!tpu.dma_semaphore, #tpu.memory_space<semaphore_mem>>) src(%dma_wait3A_68 : memref<128x32xf32, #tpu.memory_space<vmem>>) dst(%dma_wait3A_74 : memref<10240x32xf32, #tpu.memory_space<vmem_shared>>)
        tpu.yield
      }) : () -> ()
      %add3A_39 = arith.constant 2 : i32
      %add3A_40 = arith.addi %mul3A_24, %add3A_39 : i32
      %lt3A_41 = arith.constant 79 : i32
      %lt3A_42 = arith.cmpi slt, %add3A_40, %lt3A_41 : i32
      %convert_element_type3A_43 = arith.extui %lt3A_42 : i1 to i32
      %cond3A_44 = arith.constant 0 : i32
      %cond3A_45 = arith.cmpi ne, %convert_element_type3A_43, %cond3A_44 : i32
      scf.if %cond3A_45 {
        %add3A_54 = arith.constant 2 : i32
        %add3A_55 = arith.addi %mul3A_24, %add3A_54 : i32
        %dma_start3A_56 = arith.constant 0 : i32
        %dma_start3A_57 = arith.constant 0 : i32
        %dma_start3A_58 = arith.constant 0 : i32
        %dma_start3A_59 = tpu.memref_slice %arg9[%dma_start3A_56, %dma_start3A_57, %dma_start3A_58] : memref<2x128x32xf32, #tpu.memory_space<vmem>> -> memref<1x128x32xf32, #tpu.memory_space<vmem>>
        %dma_start3A_60 = tpu.memref_squeeze %dma_start3A_59 : memref<1x128x32xf32, #tpu.memory_space<vmem>> -> memref<128x32xf32, #tpu.memory_space<vmem>>
        %dma_start3A_61 = arith.constant 0 : i32
        %dma_start3A_62 = tpu.memref_slice %arg7[%add3A_55, %dma_start3A_61] : memref<79x128xi32, #tpu.memory_space<vmem>> -> memref<1x128xi32, #tpu.memory_space<vmem>>
        %dma_start3A_63 = tpu.memref_squeeze %dma_start3A_62 : memref<1x128xi32, #tpu.memory_space<vmem>> -> memref<128xi32, #tpu.memory_space<vmem>>
        %dma_start3A_64 = arith.constant 0 : i32
        %dma_start3A_65 = arith.constant 0 : i32
        %dma_start3A_66 = tpu.memref_slice %arg2[%dma_start3A_64, %dma_start3A_65] : memref<10240x32xf32, #tpu.memory_space<hbm>> -> memref<10240x32xf32, #tpu.memory_space<hbm>>
        tpu.enqueue_indirect_dma source(%dma_start3A_66 : memref<10240x32xf32, #tpu.memory_space<hbm>>) target(%dma_start3A_60 : memref<128x32xf32, #tpu.memory_space<vmem>>) offsets(%dma_start3A_63 : memref<128xi32, #tpu.memory_space<vmem>>) semaphore(%arg11 : memref<!tpu.dma_semaphore, #tpu.memory_space<semaphore_mem>>)
      } else {
      }
      %add3A_46 = arith.constant 1 : i32
      %add3A_47 = arith.addi %mul3A_24, %add3A_46 : i32
      %lt3A_48 = arith.constant 79 : i32
      %lt3A_49 = arith.cmpi slt, %add3A_47, %lt3A_48 : i32
      %convert_element_type3A_50 = arith.extui %lt3A_49 : i1 to i32
      %cond3A_51 = arith.constant 0 : i32
      %cond3A_52 = arith.cmpi ne, %convert_element_type3A_50, %cond3A_51 : i32
      scf.if %cond3A_52 {
        %add3A_54 = arith.constant 1 : i32
        %add3A_55 = arith.addi %mul3A_24, %add3A_54 : i32
        %dma_wait3A_56 = arith.constant 1 : i32
        %dma_wait3A_57 = arith.constant 0 : i32
        %dma_wait3A_58 = arith.constant 0 : i32
        %dma_wait3A_59 = tpu.memref_slice %arg9[%dma_wait3A_56, %dma_wait3A_57, %dma_wait3A_58] : memref<2x128x32xf32, #tpu.memory_space<vmem>> -> memref<1x128x32xf32, #tpu.memory_space<vmem>>
        %dma_wait3A_60 = tpu.memref_squeeze %dma_wait3A_59 : memref<1x128x32xf32, #tpu.memory_space<vmem>> -> memref<128x32xf32, #tpu.memory_space<vmem>>
        %dma_wait3A_61 = arith.constant 0 : i32
        %dma_wait3A_62 = tpu.memref_slice %arg7[%add3A_55, %dma_wait3A_61] : memref<79x128xi32, #tpu.memory_space<vmem>> -> memref<1x128xi32, #tpu.memory_space<vmem>>
        %dma_wait3A_63 = tpu.memref_squeeze %dma_wait3A_62 : memref<1x128xi32, #tpu.memory_space<vmem>> -> memref<128xi32, #tpu.memory_space<vmem>>
        %dma_wait3A_64 = arith.constant 0 : i32
        %dma_wait3A_65 = arith.constant 0 : i32
        %dma_wait3A_66 = tpu.memref_slice %arg2[%dma_wait3A_64, %dma_wait3A_65] : memref<10240x32xf32, #tpu.memory_space<hbm>> -> memref<10240x32xf32, #tpu.memory_space<hbm>>
        tpu.wait_indirect_dma semaphore(%arg12 : memref<!tpu.dma_semaphore, #tpu.memory_space<semaphore_mem>>) src(%dma_wait3A_66 : memref<10240x32xf32, #tpu.memory_space<hbm>>) dst(%dma_wait3A_60 : memref<128x32xf32, #tpu.memory_space<vmem>>)
        %add3A_67 = arith.constant 1 : i32
        %add3A_68 = arith.addi %mul3A_24, %add3A_67 : i32
        %run_scoped3A_69 = arith.constant 1 : i32
        "tpu.region"() ({
          %run_scoped3A_70 = tpu.sem_alloc : memref<!tpu.dma_semaphore, #tpu.memory_space<semaphore_mem>>
          %dma_start3A_71 = arith.constant 0 : i32
          %dma_start3A_72 = arith.constant 0 : i32
          %dma_start3A_73 = tpu.memref_slice %arg9[%run_scoped3A_69, %dma_start3A_71, %dma_start3A_72] : memref<2x128x32xf32, #tpu.memory_space<vmem>> -> memref<1x128x32xf32, #tpu.memory_space<vmem>>
          %dma_start3A_74 = tpu.memref_squeeze %dma_start3A_73 : memref<1x128x32xf32, #tpu.memory_space<vmem>> -> memref<128x32xf32, #tpu.memory_space<vmem>>
          %dma_start3A_75 = arith.constant 0 : i32
          %dma_start3A_76 = tpu.memref_slice %arg8[%add3A_68, %dma_start3A_75] : memref<79x128xi32, #tpu.memory_space<vmem>> -> memref<1x128xi32, #tpu.memory_space<vmem>>
          %dma_start3A_77 = tpu.memref_squeeze %dma_start3A_76 : memref<1x128xi32, #tpu.memory_space<vmem>> -> memref<128xi32, #tpu.memory_space<vmem>>
          %dma_start3A_78 = arith.constant 0 : i32
          %dma_start3A_79 = arith.constant 0 : i32
          %dma_start3A_80 = tpu.memref_slice %arg10[%dma_start3A_78, %dma_start3A_79] : memref<10240x32xf32, #tpu.memory_space<vmem_shared>> -> memref<10240x32xf32, #tpu.memory_space<vmem_shared>>
          tpu.enqueue_indirect_dma source(%dma_start3A_74 : memref<128x32xf32, #tpu.memory_space<vmem>>) target(%dma_start3A_80 : memref<10240x32xf32, #tpu.memory_space<vmem_shared>>) offsets(%dma_start3A_77 : memref<128xi32, #tpu.memory_space<vmem>>) semaphore(%run_scoped3A_70 : memref<!tpu.dma_semaphore, #tpu.memory_space<semaphore_mem>>) {add = true}
          %dma_wait3A_81 = arith.constant 0 : i32
          %dma_wait3A_82 = arith.constant 0 : i32
          %dma_wait3A_83 = tpu.memref_slice %arg9[%run_scoped3A_69, %dma_wait3A_81, %dma_wait3A_82] : memref<2x128x32xf32, #tpu.memory_space<vmem>> -> memref<1x128x32xf32, #tpu.memory_space<vmem>>
          %dma_wait3A_84 = tpu.memref_squeeze %dma_wait3A_83 : memref<1x128x32xf32, #tpu.memory_space<vmem>> -> memref<128x32xf32, #tpu.memory_space<vmem>>
          %dma_wait3A_85 = arith.constant 0 : i32
          %dma_wait3A_86 = tpu.memref_slice %arg8[%add3A_68, %dma_wait3A_85] : memref<79x128xi32, #tpu.memory_space<vmem>> -> memref<1x128xi32, #tpu.memory_space<vmem>>
          %dma_wait3A_87 = tpu.memref_squeeze %dma_wait3A_86 : memref<1x128xi32, #tpu.memory_space<vmem>> -> memref<128xi32, #tpu.memory_space<vmem>>
          %dma_wait3A_88 = arith.constant 0 : i32
          %dma_wait3A_89 = arith.constant 0 : i32
          %dma_wait3A_90 = tpu.memref_slice %arg10[%dma_wait3A_88, %dma_wait3A_89] : memref<10240x32xf32, #tpu.memory_space<vmem_shared>> -> memref<10240x32xf32, #tpu.memory_space<vmem_shared>>
          tpu.wait_indirect_dma semaphore(%run_scoped3A_70 : memref<!tpu.dma_semaphore, #tpu.memory_space<semaphore_mem>>) src(%dma_wait3A_84 : memref<128x32xf32, #tpu.memory_space<vmem>>) dst(%dma_wait3A_90 : memref<10240x32xf32, #tpu.memory_space<vmem_shared>>)
          tpu.yield
        }) : () -> ()
      } else {
      }
      %scan3A_53 = arith.constant 0 : i32
      scf.yield %scan3A_53 : i32
    }
    %scan3A_19 = arith.constant 40 : i32
    %barrier3A_20 = arith.constant 0 : index
    tpu.barrier barrier_id(%barrier3A_20)
    "tpu.region"() ({
      %run_scoped3A = tpu.sem_alloc : memref<!tpu.dma_semaphore, #tpu.memory_space<semaphore_mem>>
      %dma_start3A_21 = arith.constant 0 : i32
      %dma_start3A_22 = tpu.memref_slice %arg6[%arg0, %mul3A_2, %dma_start3A_21] : memref<2x10240x32xf32, #tpu.memory_space<hbm>> -> memref<1x640x32xf32, #tpu.memory_space<hbm>>
      %dma_start3A_23 = tpu.memref_squeeze %dma_start3A_22 : memref<1x640x32xf32, #tpu.memory_space<hbm>> -> memref<640x32xf32, #tpu.memory_space<hbm>>
      %dma_start3A_24 = arith.constant 0 : i32
      %dma_start3A_25 = tpu.memref_slice %arg10[%mul3A_2, %dma_start3A_24] : memref<10240x32xf32, #tpu.memory_space<vmem_shared>> -> memref<640x32xf32, #tpu.memory_space<vmem_shared>>
      tpu.enqueue_dma source(%dma_start3A_25 : memref<640x32xf32, #tpu.memory_space<vmem_shared>>) target(%dma_start3A_23 : memref<640x32xf32, #tpu.memory_space<hbm>>) target_semaphore(%run_scoped3A : memref<!tpu.dma_semaphore, #tpu.memory_space<semaphore_mem>>)
      %dma_wait3A = arith.constant 0 : i32
      %dma_wait3A_26 = tpu.memref_slice %arg6[%arg0, %mul3A_2, %dma_wait3A] : memref<2x10240x32xf32, #tpu.memory_space<hbm>> -> memref<1x640x32xf32, #tpu.memory_space<hbm>>
      %dma_wait3A_27 = tpu.memref_squeeze %dma_wait3A_26 : memref<1x640x32xf32, #tpu.memory_space<hbm>> -> memref<640x32xf32, #tpu.memory_space<hbm>>
      %dma_wait3A_28 = arith.constant 0 : i32
      %dma_wait3A_29 = tpu.memref_slice %arg10[%mul3A_2, %dma_wait3A_28] : memref<10240x32xf32, #tpu.memory_space<vmem_shared>> -> memref<640x32xf32, #tpu.memory_space<vmem_shared>>
      tpu.wait_dma2 semaphore(%run_scoped3A : memref<!tpu.dma_semaphore, #tpu.memory_space<semaphore_mem>>) src(%dma_wait3A_29 : memref<640x32xf32, #tpu.memory_space<vmem_shared>>) dst(%dma_wait3A_27 : memref<640x32xf32, #tpu.memory_space<hbm>>)
      tpu.yield
    }) : () -> ()
    return
  }
}

#map = affine_map<(d0, d1) -> (0, 0)>
#map1 = affine_map<(d0, d1) -> (0, 0, 0)>
module attributes {stable_mosaic.version = 14 : i64} {
  func.func @seg(%arg0: i32, %arg1: i32, %arg2: memref<10240x64xf32, #tpu.memory_space<hbm>>, %arg3: memref<10240x64xf32, #tpu.memory_space<hbm>>, %arg4: memref<16x157x128xi32, #tpu.memory_space<hbm>>, %arg5: memref<16x157x128xi32, #tpu.memory_space<hbm>>, %arg6: memref<10240x64xf32, #tpu.memory_space<hbm>>, %arg7: memref<2x10240x64xf32, #tpu.memory_space<hbm>>, %arg8: memref<157x128xi32, #tpu.memory_space<vmem>>, %arg9: memref<157x128xi32, #tpu.memory_space<vmem>>, %arg10: memref<2x128x64xf32, #tpu.memory_space<vmem>>, %arg11: memref<10240x64xf32, #tpu.memory_space<vmem_shared>>, %arg12: memref<!tpu.dma_semaphore, #tpu.memory_space<semaphore_mem>>, %arg13: memref<!tpu.dma_semaphore, #tpu.memory_space<semaphore_mem>>) attributes {dimension_semantics = [#tpu.dimension_semantics<core_parallel>, #tpu.dimension_semantics<subcore_parallel>], iteration_bounds = array<i64: 2, 16>, scalar_prefetch = 0 : i64, scratch_operands = 6 : i64, tpu.core_type = #tpu.core_type<sc_vector_subcore>, window_params = [{transform_indices = #map}, {transform_indices = #map}, {transform_indices = #map1}, {transform_indices = #map1}, {transform_indices = #map}, {transform_indices = #map1}]} {
    %mul3A = arith.constant 640 : i32
    %mul3A_0 = arith.muli %arg1, %mul3A : i32
    "tpu.region"() ({
      %run_scoped3A = tpu.sem_alloc : memref<!tpu.dma_semaphore, #tpu.memory_space<semaphore_mem>>
      %dma_start3A = arith.constant 0 : i32
      %dma_start3A_9 = tpu.memref_slice %arg11[%mul3A_0, %dma_start3A] : memref<10240x64xf32, #tpu.memory_space<vmem_shared>> -> memref<640x64xf32, #tpu.memory_space<vmem_shared>>
      %dma_start3A_10 = arith.constant 0 : i32
      %dma_start3A_11 = tpu.memref_slice %arg6[%mul3A_0, %dma_start3A_10] : memref<10240x64xf32, #tpu.memory_space<hbm>> -> memref<640x64xf32, #tpu.memory_space<hbm>>
      tpu.enqueue_dma source(%dma_start3A_11 : memref<640x64xf32, #tpu.memory_space<hbm>>) target(%dma_start3A_9 : memref<640x64xf32, #tpu.memory_space<vmem_shared>>) target_semaphore(%run_scoped3A : memref<!tpu.dma_semaphore, #tpu.memory_space<semaphore_mem>>)
      %dma_wait3A = arith.constant 0 : i32
      %dma_wait3A_12 = tpu.memref_slice %arg11[%mul3A_0, %dma_wait3A] : memref<10240x64xf32, #tpu.memory_space<vmem_shared>> -> memref<640x64xf32, #tpu.memory_space<vmem_shared>>
      %dma_wait3A_13 = arith.constant 0 : i32
      %dma_wait3A_14 = tpu.memref_slice %arg6[%mul3A_0, %dma_wait3A_13] : memref<10240x64xf32, #tpu.memory_space<hbm>> -> memref<640x64xf32, #tpu.memory_space<hbm>>
      tpu.wait_dma2 semaphore(%run_scoped3A : memref<!tpu.dma_semaphore, #tpu.memory_space<semaphore_mem>>) src(%dma_wait3A_14 : memref<640x64xf32, #tpu.memory_space<hbm>>) dst(%dma_wait3A_12 : memref<640x64xf32, #tpu.memory_space<vmem_shared>>)
      tpu.yield
    }) : () -> ()
    "tpu.region"() ({
      %run_scoped3A = tpu.sem_alloc : memref<!tpu.dma_semaphore, #tpu.memory_space<semaphore_mem>>
      %dma_start3A = arith.constant 0 : i32
      %dma_start3A_9 = arith.constant 0 : i32
      %dma_start3A_10 = tpu.memref_slice %arg4[%arg1, %dma_start3A, %dma_start3A_9] : memref<16x157x128xi32, #tpu.memory_space<hbm>> -> memref<1x157x128xi32, #tpu.memory_space<hbm>>
      %dma_start3A_11 = tpu.memref_squeeze %dma_start3A_10 : memref<1x157x128xi32, #tpu.memory_space<hbm>> -> memref<157x128xi32, #tpu.memory_space<hbm>>
      %dma_start3A_12 = arith.constant 0 : i32
      %dma_start3A_13 = arith.constant 0 : i32
      %dma_start3A_14 = tpu.memref_slice %arg4[%arg1, %dma_start3A_12, %dma_start3A_13] : memref<16x157x128xi32, #tpu.memory_space<hbm>> -> memref<1x157x128xi32, #tpu.memory_space<hbm>>
      %dma_start3A_15 = tpu.memref_squeeze %dma_start3A_14 : memref<1x157x128xi32, #tpu.memory_space<hbm>> -> memref<157x128xi32, #tpu.memory_space<hbm>>
      tpu.enqueue_dma source(%dma_start3A_15 : memref<157x128xi32, #tpu.memory_space<hbm>>) target(%arg8 : memref<157x128xi32, #tpu.memory_space<vmem>>) target_semaphore(%run_scoped3A : memref<!tpu.dma_semaphore, #tpu.memory_space<semaphore_mem>>)
      %dma_wait3A = arith.constant 0 : i32
      %dma_wait3A_16 = arith.constant 0 : i32
      %dma_wait3A_17 = tpu.memref_slice %arg4[%arg1, %dma_wait3A, %dma_wait3A_16] : memref<16x157x128xi32, #tpu.memory_space<hbm>> -> memref<1x157x128xi32, #tpu.memory_space<hbm>>
      %dma_wait3A_18 = tpu.memref_squeeze %dma_wait3A_17 : memref<1x157x128xi32, #tpu.memory_space<hbm>> -> memref<157x128xi32, #tpu.memory_space<hbm>>
      %dma_wait3A_19 = arith.constant 0 : i32
      %dma_wait3A_20 = arith.constant 0 : i32
      %dma_wait3A_21 = tpu.memref_slice %arg4[%arg1, %dma_wait3A_19, %dma_wait3A_20] : memref<16x157x128xi32, #tpu.memory_space<hbm>> -> memref<1x157x128xi32, #tpu.memory_space<hbm>>
      %dma_wait3A_22 = tpu.memref_squeeze %dma_wait3A_21 : memref<1x157x128xi32, #tpu.memory_space<hbm>> -> memref<157x128xi32, #tpu.memory_space<hbm>>
      tpu.wait_dma2 semaphore(%run_scoped3A : memref<!tpu.dma_semaphore, #tpu.memory_space<semaphore_mem>>) src(%dma_wait3A_22 : memref<157x128xi32, #tpu.memory_space<hbm>>) dst(%arg8 : memref<157x128xi32, #tpu.memory_space<vmem>>)
      tpu.yield
    }) : () -> ()
    "tpu.region"() ({
      %run_scoped3A = tpu.sem_alloc : memref<!tpu.dma_semaphore, #tpu.memory_space<semaphore_mem>>
      %dma_start3A = arith.constant 0 : i32
      %dma_start3A_9 = arith.constant 0 : i32
      %dma_start3A_10 = tpu.memref_slice %arg5[%arg1, %dma_start3A, %dma_start3A_9] : memref<16x157x128xi32, #tpu.memory_space<hbm>> -> memref<1x157x128xi32, #tpu.memory_space<hbm>>
      %dma_start3A_11 = tpu.memref_squeeze %dma_start3A_10 : memref<1x157x128xi32, #tpu.memory_space<hbm>> -> memref<157x128xi32, #tpu.memory_space<hbm>>
      %dma_start3A_12 = arith.constant 0 : i32
      %dma_start3A_13 = arith.constant 0 : i32
      %dma_start3A_14 = tpu.memref_slice %arg5[%arg1, %dma_start3A_12, %dma_start3A_13] : memref<16x157x128xi32, #tpu.memory_space<hbm>> -> memref<1x157x128xi32, #tpu.memory_space<hbm>>
      %dma_start3A_15 = tpu.memref_squeeze %dma_start3A_14 : memref<1x157x128xi32, #tpu.memory_space<hbm>> -> memref<157x128xi32, #tpu.memory_space<hbm>>
      tpu.enqueue_dma source(%dma_start3A_15 : memref<157x128xi32, #tpu.memory_space<hbm>>) target(%arg9 : memref<157x128xi32, #tpu.memory_space<vmem>>) target_semaphore(%run_scoped3A : memref<!tpu.dma_semaphore, #tpu.memory_space<semaphore_mem>>)
      %dma_wait3A = arith.constant 0 : i32
      %dma_wait3A_16 = arith.constant 0 : i32
      %dma_wait3A_17 = tpu.memref_slice %arg5[%arg1, %dma_wait3A, %dma_wait3A_16] : memref<16x157x128xi32, #tpu.memory_space<hbm>> -> memref<1x157x128xi32, #tpu.memory_space<hbm>>
      %dma_wait3A_18 = tpu.memref_squeeze %dma_wait3A_17 : memref<1x157x128xi32, #tpu.memory_space<hbm>> -> memref<157x128xi32, #tpu.memory_space<hbm>>
      %dma_wait3A_19 = arith.constant 0 : i32
      %dma_wait3A_20 = arith.constant 0 : i32
      %dma_wait3A_21 = tpu.memref_slice %arg5[%arg1, %dma_wait3A_19, %dma_wait3A_20] : memref<16x157x128xi32, #tpu.memory_space<hbm>> -> memref<1x157x128xi32, #tpu.memory_space<hbm>>
      %dma_wait3A_22 = tpu.memref_squeeze %dma_wait3A_21 : memref<1x157x128xi32, #tpu.memory_space<hbm>> -> memref<157x128xi32, #tpu.memory_space<hbm>>
      tpu.wait_dma2 semaphore(%run_scoped3A : memref<!tpu.dma_semaphore, #tpu.memory_space<semaphore_mem>>) src(%dma_wait3A_22 : memref<157x128xi32, #tpu.memory_space<hbm>>) dst(%arg9 : memref<157x128xi32, #tpu.memory_space<vmem>>)
      tpu.yield
    }) : () -> ()
    %barrier3A = arith.constant 0 : index
    tpu.barrier barrier_id(%barrier3A)
    %eq3A = arith.constant 0 : i32
    %eq3A_1 = arith.cmpi eq, %arg0, %eq3A : i32
    %convert_element_type3A = arith.extui %eq3A_1 : i1 to i32
    %cond3A = arith.constant 0 : i32
    %cond3A_2 = arith.cmpi ne, %convert_element_type3A, %cond3A : i32
    scf.if %cond3A_2 {
      %dma_start3A = arith.constant 0 : i32
      %dma_start3A_9 = arith.constant 0 : i32
      %dma_start3A_10 = arith.constant 0 : i32
      %dma_start3A_11 = arith.constant 0 : i32
      %dma_start3A_12 = tpu.memref_slice %arg10[%dma_start3A_9, %dma_start3A_10, %dma_start3A_11] : memref<2x128x64xf32, #tpu.memory_space<vmem>> -> memref<1x128x64xf32, #tpu.memory_space<vmem>>
      %dma_start3A_13 = tpu.memref_squeeze %dma_start3A_12 : memref<1x128x64xf32, #tpu.memory_space<vmem>> -> memref<128x64xf32, #tpu.memory_space<vmem>>
      %dma_start3A_14 = arith.constant 0 : i32
      %dma_start3A_15 = tpu.memref_slice %arg8[%dma_start3A, %dma_start3A_14] : memref<157x128xi32, #tpu.memory_space<vmem>> -> memref<1x128xi32, #tpu.memory_space<vmem>>
      %dma_start3A_16 = tpu.memref_squeeze %dma_start3A_15 : memref<1x128xi32, #tpu.memory_space<vmem>> -> memref<128xi32, #tpu.memory_space<vmem>>
      %dma_start3A_17 = arith.constant 0 : i32
      %dma_start3A_18 = arith.constant 0 : i32
      %dma_start3A_19 = tpu.memref_slice %arg2[%dma_start3A_17, %dma_start3A_18] : memref<10240x64xf32, #tpu.memory_space<hbm>> -> memref<10240x64xf32, #tpu.memory_space<hbm>>
      tpu.enqueue_indirect_dma source(%dma_start3A_19 : memref<10240x64xf32, #tpu.memory_space<hbm>>) target(%dma_start3A_13 : memref<128x64xf32, #tpu.memory_space<vmem>>) offsets(%dma_start3A_16 : memref<128xi32, #tpu.memory_space<vmem>>) semaphore(%arg12 : memref<!tpu.dma_semaphore, #tpu.memory_space<semaphore_mem>>)
      %scan3A = arith.constant 0 : i32
      %scan3A_20 = arith.constant 0 : i32
      %scan3A_21 = arith.constant 79 : i32
      %scan3A_22 = arith.addi %scan3A_20, %scan3A_21 : i32
      %scan3A_23 = arith.constant 1 : i32
      %scan3A_24 = scf.for %scan3A_26 = %scan3A_20 to %scan3A_22 step %scan3A_23 iter_args(%scan3A_27 = %scan3A) -> (i32)  : i32 {
        %mul3A_28 = arith.constant 2 : i32
        %mul3A_29 = arith.muli %scan3A_26, %mul3A_28 : i32
        %add3A = arith.constant 1 : i32
        %add3A_30 = arith.addi %mul3A_29, %add3A : i32
        %lt3A = arith.constant 157 : i32
        %lt3A_31 = arith.cmpi slt, %add3A_30, %lt3A : i32
        %convert_element_type3A_32 = arith.extui %lt3A_31 : i1 to i32
        %cond3A_33 = arith.constant 0 : i32
        %cond3A_34 = arith.cmpi ne, %convert_element_type3A_32, %cond3A_33 : i32
        scf.if %cond3A_34 {
          %add3A_60 = arith.constant 1 : i32
          %add3A_61 = arith.addi %mul3A_29, %add3A_60 : i32
          %dma_start3A_62 = arith.constant 1 : i32
          %dma_start3A_63 = arith.constant 0 : i32
          %dma_start3A_64 = arith.constant 0 : i32
          %dma_start3A_65 = tpu.memref_slice %arg10[%dma_start3A_62, %dma_start3A_63, %dma_start3A_64] : memref<2x128x64xf32, #tpu.memory_space<vmem>> -> memref<1x128x64xf32, #tpu.memory_space<vmem>>
          %dma_start3A_66 = tpu.memref_squeeze %dma_start3A_65 : memref<1x128x64xf32, #tpu.memory_space<vmem>> -> memref<128x64xf32, #tpu.memory_space<vmem>>
          %dma_start3A_67 = arith.constant 0 : i32
          %dma_start3A_68 = tpu.memref_slice %arg8[%add3A_61, %dma_start3A_67] : memref<157x128xi32, #tpu.memory_space<vmem>> -> memref<1x128xi32, #tpu.memory_space<vmem>>
          %dma_start3A_69 = tpu.memref_squeeze %dma_start3A_68 : memref<1x128xi32, #tpu.memory_space<vmem>> -> memref<128xi32, #tpu.memory_space<vmem>>
          %dma_start3A_70 = arith.constant 0 : i32
          %dma_start3A_71 = arith.constant 0 : i32
          %dma_start3A_72 = tpu.memref_slice %arg2[%dma_start3A_70, %dma_start3A_71] : memref<10240x64xf32, #tpu.memory_space<hbm>> -> memref<10240x64xf32, #tpu.memory_space<hbm>>
          tpu.enqueue_indirect_dma source(%dma_start3A_72 : memref<10240x64xf32, #tpu.memory_space<hbm>>) target(%dma_start3A_66 : memref<128x64xf32, #tpu.memory_space<vmem>>) offsets(%dma_start3A_69 : memref<128xi32, #tpu.memory_space<vmem>>) semaphore(%arg13 : memref<!tpu.dma_semaphore, #tpu.memory_space<semaphore_mem>>)
        } else {
        }
        %dma_wait3A = arith.constant 0 : i32
        %dma_wait3A_35 = arith.constant 0 : i32
        %dma_wait3A_36 = arith.constant 0 : i32
        %dma_wait3A_37 = tpu.memref_slice %arg10[%dma_wait3A, %dma_wait3A_35, %dma_wait3A_36] : memref<2x128x64xf32, #tpu.memory_space<vmem>> -> memref<1x128x64xf32, #tpu.memory_space<vmem>>
        %dma_wait3A_38 = tpu.memref_squeeze %dma_wait3A_37 : memref<1x128x64xf32, #tpu.memory_space<vmem>> -> memref<128x64xf32, #tpu.memory_space<vmem>>
        %dma_wait3A_39 = arith.constant 0 : i32
        %dma_wait3A_40 = tpu.memref_slice %arg8[%mul3A_29, %dma_wait3A_39] : memref<157x128xi32, #tpu.memory_space<vmem>> -> memref<1x128xi32, #tpu.memory_space<vmem>>
        %dma_wait3A_41 = tpu.memref_squeeze %dma_wait3A_40 : memref<1x128xi32, #tpu.memory_space<vmem>> -> memref<128xi32, #tpu.memory_space<vmem>>
        %dma_wait3A_42 = arith.constant 0 : i32
        %dma_wait3A_43 = arith.constant 0 : i32
        %dma_wait3A_44 = tpu.memref_slice %arg2[%dma_wait3A_42, %dma_wait3A_43] : memref<10240x64xf32, #tpu.memory_space<hbm>> -> memref<10240x64xf32, #tpu.memory_space<hbm>>
        tpu.wait_indirect_dma semaphore(%arg12 : memref<!tpu.dma_semaphore, #tpu.memory_space<semaphore_mem>>) src(%dma_wait3A_44 : memref<10240x64xf32, #tpu.memory_space<hbm>>) dst(%dma_wait3A_38 : memref<128x64xf32, #tpu.memory_space<vmem>>)
        %run_scoped3A = arith.constant 0 : i32
        "tpu.region"() ({
          %run_scoped3A_60 = tpu.sem_alloc : memref<!tpu.dma_semaphore, #tpu.memory_space<semaphore_mem>>
          %dma_start3A_61 = arith.constant 0 : i32
          %dma_start3A_62 = arith.constant 0 : i32
          %dma_start3A_63 = tpu.memref_slice %arg10[%run_scoped3A, %dma_start3A_61, %dma_start3A_62] : memref<2x128x64xf32, #tpu.memory_space<vmem>> -> memref<1x128x64xf32, #tpu.memory_space<vmem>>
          %dma_start3A_64 = tpu.memref_squeeze %dma_start3A_63 : memref<1x128x64xf32, #tpu.memory_space<vmem>> -> memref<128x64xf32, #tpu.memory_space<vmem>>
          %dma_start3A_65 = arith.constant 0 : i32
          %dma_start3A_66 = tpu.memref_slice %arg9[%mul3A_29, %dma_start3A_65] : memref<157x128xi32, #tpu.memory_space<vmem>> -> memref<1x128xi32, #tpu.memory_space<vmem>>
          %dma_start3A_67 = tpu.memref_squeeze %dma_start3A_66 : memref<1x128xi32, #tpu.memory_space<vmem>> -> memref<128xi32, #tpu.memory_space<vmem>>
          %dma_start3A_68 = arith.constant 0 : i32
          %dma_start3A_69 = arith.constant 0 : i32
          %dma_start3A_70 = tpu.memref_slice %arg11[%dma_start3A_68, %dma_start3A_69] : memref<10240x64xf32, #tpu.memory_space<vmem_shared>> -> memref<10240x64xf32, #tpu.memory_space<vmem_shared>>
          tpu.enqueue_indirect_dma source(%dma_start3A_64 : memref<128x64xf32, #tpu.memory_space<vmem>>) target(%dma_start3A_70 : memref<10240x64xf32, #tpu.memory_space<vmem_shared>>) offsets(%dma_start3A_67 : memref<128xi32, #tpu.memory_space<vmem>>) semaphore(%run_scoped3A_60 : memref<!tpu.dma_semaphore, #tpu.memory_space<semaphore_mem>>) {add = true}
          %dma_wait3A_71 = arith.constant 0 : i32
          %dma_wait3A_72 = arith.constant 0 : i32
          %dma_wait3A_73 = tpu.memref_slice %arg10[%run_scoped3A, %dma_wait3A_71, %dma_wait3A_72] : memref<2x128x64xf32, #tpu.memory_space<vmem>> -> memref<1x128x64xf32, #tpu.memory_space<vmem>>
          %dma_wait3A_74 = tpu.memref_squeeze %dma_wait3A_73 : memref<1x128x64xf32, #tpu.memory_space<vmem>> -> memref<128x64xf32, #tpu.memory_space<vmem>>
          %dma_wait3A_75 = arith.constant 0 : i32
          %dma_wait3A_76 = tpu.memref_slice %arg9[%mul3A_29, %dma_wait3A_75] : memref<157x128xi32, #tpu.memory_space<vmem>> -> memref<1x128xi32, #tpu.memory_space<vmem>>
          %dma_wait3A_77 = tpu.memref_squeeze %dma_wait3A_76 : memref<1x128xi32, #tpu.memory_space<vmem>> -> memref<128xi32, #tpu.memory_space<vmem>>
          %dma_wait3A_78 = arith.constant 0 : i32
          %dma_wait3A_79 = arith.constant 0 : i32
          %dma_wait3A_80 = tpu.memref_slice %arg11[%dma_wait3A_78, %dma_wait3A_79] : memref<10240x64xf32, #tpu.memory_space<vmem_shared>> -> memref<10240x64xf32, #tpu.memory_space<vmem_shared>>
          tpu.wait_indirect_dma semaphore(%run_scoped3A_60 : memref<!tpu.dma_semaphore, #tpu.memory_space<semaphore_mem>>) src(%dma_wait3A_74 : memref<128x64xf32, #tpu.memory_space<vmem>>) dst(%dma_wait3A_80 : memref<10240x64xf32, #tpu.memory_space<vmem_shared>>)
          tpu.yield
        }) : () -> ()
        %add3A_45 = arith.constant 2 : i32
        %add3A_46 = arith.addi %mul3A_29, %add3A_45 : i32
        %lt3A_47 = arith.constant 157 : i32
        %lt3A_48 = arith.cmpi slt, %add3A_46, %lt3A_47 : i32
        %convert_element_type3A_49 = arith.extui %lt3A_48 : i1 to i32
        %cond3A_50 = arith.constant 0 : i32
        %cond3A_51 = arith.cmpi ne, %convert_element_type3A_49, %cond3A_50 : i32
        scf.if %cond3A_51 {
          %add3A_60 = arith.constant 2 : i32
          %add3A_61 = arith.addi %mul3A_29, %add3A_60 : i32
          %dma_start3A_62 = arith.constant 0 : i32
          %dma_start3A_63 = arith.constant 0 : i32
          %dma_start3A_64 = arith.constant 0 : i32
          %dma_start3A_65 = tpu.memref_slice %arg10[%dma_start3A_62, %dma_start3A_63, %dma_start3A_64] : memref<2x128x64xf32, #tpu.memory_space<vmem>> -> memref<1x128x64xf32, #tpu.memory_space<vmem>>
          %dma_start3A_66 = tpu.memref_squeeze %dma_start3A_65 : memref<1x128x64xf32, #tpu.memory_space<vmem>> -> memref<128x64xf32, #tpu.memory_space<vmem>>
          %dma_start3A_67 = arith.constant 0 : i32
          %dma_start3A_68 = tpu.memref_slice %arg8[%add3A_61, %dma_start3A_67] : memref<157x128xi32, #tpu.memory_space<vmem>> -> memref<1x128xi32, #tpu.memory_space<vmem>>
          %dma_start3A_69 = tpu.memref_squeeze %dma_start3A_68 : memref<1x128xi32, #tpu.memory_space<vmem>> -> memref<128xi32, #tpu.memory_space<vmem>>
          %dma_start3A_70 = arith.constant 0 : i32
          %dma_start3A_71 = arith.constant 0 : i32
          %dma_start3A_72 = tpu.memref_slice %arg2[%dma_start3A_70, %dma_start3A_71] : memref<10240x64xf32, #tpu.memory_space<hbm>> -> memref<10240x64xf32, #tpu.memory_space<hbm>>
          tpu.enqueue_indirect_dma source(%dma_start3A_72 : memref<10240x64xf32, #tpu.memory_space<hbm>>) target(%dma_start3A_66 : memref<128x64xf32, #tpu.memory_space<vmem>>) offsets(%dma_start3A_69 : memref<128xi32, #tpu.memory_space<vmem>>) semaphore(%arg12 : memref<!tpu.dma_semaphore, #tpu.memory_space<semaphore_mem>>)
        } else {
        }
        %add3A_52 = arith.constant 1 : i32
        %add3A_53 = arith.addi %mul3A_29, %add3A_52 : i32
        %lt3A_54 = arith.constant 157 : i32
        %lt3A_55 = arith.cmpi slt, %add3A_53, %lt3A_54 : i32
        %convert_element_type3A_56 = arith.extui %lt3A_55 : i1 to i32
        %cond3A_57 = arith.constant 0 : i32
        %cond3A_58 = arith.cmpi ne, %convert_element_type3A_56, %cond3A_57 : i32
        scf.if %cond3A_58 {
          %add3A_60 = arith.constant 1 : i32
          %add3A_61 = arith.addi %mul3A_29, %add3A_60 : i32
          %dma_wait3A_62 = arith.constant 1 : i32
          %dma_wait3A_63 = arith.constant 0 : i32
          %dma_wait3A_64 = arith.constant 0 : i32
          %dma_wait3A_65 = tpu.memref_slice %arg10[%dma_wait3A_62, %dma_wait3A_63, %dma_wait3A_64] : memref<2x128x64xf32, #tpu.memory_space<vmem>> -> memref<1x128x64xf32, #tpu.memory_space<vmem>>
          %dma_wait3A_66 = tpu.memref_squeeze %dma_wait3A_65 : memref<1x128x64xf32, #tpu.memory_space<vmem>> -> memref<128x64xf32, #tpu.memory_space<vmem>>
          %dma_wait3A_67 = arith.constant 0 : i32
          %dma_wait3A_68 = tpu.memref_slice %arg8[%add3A_61, %dma_wait3A_67] : memref<157x128xi32, #tpu.memory_space<vmem>> -> memref<1x128xi32, #tpu.memory_space<vmem>>
          %dma_wait3A_69 = tpu.memref_squeeze %dma_wait3A_68 : memref<1x128xi32, #tpu.memory_space<vmem>> -> memref<128xi32, #tpu.memory_space<vmem>>
          %dma_wait3A_70 = arith.constant 0 : i32
          %dma_wait3A_71 = arith.constant 0 : i32
          %dma_wait3A_72 = tpu.memref_slice %arg2[%dma_wait3A_70, %dma_wait3A_71] : memref<10240x64xf32, #tpu.memory_space<hbm>> -> memref<10240x64xf32, #tpu.memory_space<hbm>>
          tpu.wait_indirect_dma semaphore(%arg13 : memref<!tpu.dma_semaphore, #tpu.memory_space<semaphore_mem>>) src(%dma_wait3A_72 : memref<10240x64xf32, #tpu.memory_space<hbm>>) dst(%dma_wait3A_66 : memref<128x64xf32, #tpu.memory_space<vmem>>)
          %add3A_73 = arith.constant 1 : i32
          %add3A_74 = arith.addi %mul3A_29, %add3A_73 : i32
          %run_scoped3A_75 = arith.constant 1 : i32
          "tpu.region"() ({
            %run_scoped3A_76 = tpu.sem_alloc : memref<!tpu.dma_semaphore, #tpu.memory_space<semaphore_mem>>
            %dma_start3A_77 = arith.constant 0 : i32
            %dma_start3A_78 = arith.constant 0 : i32
            %dma_start3A_79 = tpu.memref_slice %arg10[%run_scoped3A_75, %dma_start3A_77, %dma_start3A_78] : memref<2x128x64xf32, #tpu.memory_space<vmem>> -> memref<1x128x64xf32, #tpu.memory_space<vmem>>
            %dma_start3A_80 = tpu.memref_squeeze %dma_start3A_79 : memref<1x128x64xf32, #tpu.memory_space<vmem>> -> memref<128x64xf32, #tpu.memory_space<vmem>>
            %dma_start3A_81 = arith.constant 0 : i32
            %dma_start3A_82 = tpu.memref_slice %arg9[%add3A_74, %dma_start3A_81] : memref<157x128xi32, #tpu.memory_space<vmem>> -> memref<1x128xi32, #tpu.memory_space<vmem>>
            %dma_start3A_83 = tpu.memref_squeeze %dma_start3A_82 : memref<1x128xi32, #tpu.memory_space<vmem>> -> memref<128xi32, #tpu.memory_space<vmem>>
            %dma_start3A_84 = arith.constant 0 : i32
            %dma_start3A_85 = arith.constant 0 : i32
            %dma_start3A_86 = tpu.memref_slice %arg11[%dma_start3A_84, %dma_start3A_85] : memref<10240x64xf32, #tpu.memory_space<vmem_shared>> -> memref<10240x64xf32, #tpu.memory_space<vmem_shared>>
            tpu.enqueue_indirect_dma source(%dma_start3A_80 : memref<128x64xf32, #tpu.memory_space<vmem>>) target(%dma_start3A_86 : memref<10240x64xf32, #tpu.memory_space<vmem_shared>>) offsets(%dma_start3A_83 : memref<128xi32, #tpu.memory_space<vmem>>) semaphore(%run_scoped3A_76 : memref<!tpu.dma_semaphore, #tpu.memory_space<semaphore_mem>>) {add = true}
            %dma_wait3A_87 = arith.constant 0 : i32
            %dma_wait3A_88 = arith.constant 0 : i32
            %dma_wait3A_89 = tpu.memref_slice %arg10[%run_scoped3A_75, %dma_wait3A_87, %dma_wait3A_88] : memref<2x128x64xf32, #tpu.memory_space<vmem>> -> memref<1x128x64xf32, #tpu.memory_space<vmem>>
            %dma_wait3A_90 = tpu.memref_squeeze %dma_wait3A_89 : memref<1x128x64xf32, #tpu.memory_space<vmem>> -> memref<128x64xf32, #tpu.memory_space<vmem>>
            %dma_wait3A_91 = arith.constant 0 : i32
            %dma_wait3A_92 = tpu.memref_slice %arg9[%add3A_74, %dma_wait3A_91] : memref<157x128xi32, #tpu.memory_space<vmem>> -> memref<1x128xi32, #tpu.memory_space<vmem>>
            %dma_wait3A_93 = tpu.memref_squeeze %dma_wait3A_92 : memref<1x128xi32, #tpu.memory_space<vmem>> -> memref<128xi32, #tpu.memory_space<vmem>>
            %dma_wait3A_94 = arith.constant 0 : i32
            %dma_wait3A_95 = arith.constant 0 : i32
            %dma_wait3A_96 = tpu.memref_slice %arg11[%dma_wait3A_94, %dma_wait3A_95] : memref<10240x64xf32, #tpu.memory_space<vmem_shared>> -> memref<10240x64xf32, #tpu.memory_space<vmem_shared>>
            tpu.wait_indirect_dma semaphore(%run_scoped3A_76 : memref<!tpu.dma_semaphore, #tpu.memory_space<semaphore_mem>>) src(%dma_wait3A_90 : memref<128x64xf32, #tpu.memory_space<vmem>>) dst(%dma_wait3A_96 : memref<10240x64xf32, #tpu.memory_space<vmem_shared>>)
            tpu.yield
          }) : () -> ()
        } else {
        }
        %scan3A_59 = arith.constant 0 : i32
        scf.yield %scan3A_59 : i32
      }
      %scan3A_25 = arith.constant 79 : i32
    } else {
    }
    %eq3A_3 = arith.constant 1 : i32
    %eq3A_4 = arith.cmpi eq, %arg0, %eq3A_3 : i32
    %convert_element_type3A_5 = arith.extui %eq3A_4 : i1 to i32
    %cond3A_6 = arith.constant 0 : i32
    %cond3A_7 = arith.cmpi ne, %convert_element_type3A_5, %cond3A_6 : i32
    scf.if %cond3A_7 {
      %dma_start3A = arith.constant 0 : i32
      %dma_start3A_9 = arith.constant 0 : i32
      %dma_start3A_10 = arith.constant 0 : i32
      %dma_start3A_11 = arith.constant 0 : i32
      %dma_start3A_12 = tpu.memref_slice %arg10[%dma_start3A_9, %dma_start3A_10, %dma_start3A_11] : memref<2x128x64xf32, #tpu.memory_space<vmem>> -> memref<1x128x64xf32, #tpu.memory_space<vmem>>
      %dma_start3A_13 = tpu.memref_squeeze %dma_start3A_12 : memref<1x128x64xf32, #tpu.memory_space<vmem>> -> memref<128x64xf32, #tpu.memory_space<vmem>>
      %dma_start3A_14 = arith.constant 0 : i32
      %dma_start3A_15 = tpu.memref_slice %arg8[%dma_start3A, %dma_start3A_14] : memref<157x128xi32, #tpu.memory_space<vmem>> -> memref<1x128xi32, #tpu.memory_space<vmem>>
      %dma_start3A_16 = tpu.memref_squeeze %dma_start3A_15 : memref<1x128xi32, #tpu.memory_space<vmem>> -> memref<128xi32, #tpu.memory_space<vmem>>
      %dma_start3A_17 = arith.constant 0 : i32
      %dma_start3A_18 = arith.constant 0 : i32
      %dma_start3A_19 = tpu.memref_slice %arg3[%dma_start3A_17, %dma_start3A_18] : memref<10240x64xf32, #tpu.memory_space<hbm>> -> memref<10240x64xf32, #tpu.memory_space<hbm>>
      tpu.enqueue_indirect_dma source(%dma_start3A_19 : memref<10240x64xf32, #tpu.memory_space<hbm>>) target(%dma_start3A_13 : memref<128x64xf32, #tpu.memory_space<vmem>>) offsets(%dma_start3A_16 : memref<128xi32, #tpu.memory_space<vmem>>) semaphore(%arg12 : memref<!tpu.dma_semaphore, #tpu.memory_space<semaphore_mem>>)
      %scan3A = arith.constant 0 : i32
      %scan3A_20 = arith.constant 0 : i32
      %scan3A_21 = arith.constant 79 : i32
      %scan3A_22 = arith.addi %scan3A_20, %scan3A_21 : i32
      %scan3A_23 = arith.constant 1 : i32
      %scan3A_24 = scf.for %scan3A_26 = %scan3A_20 to %scan3A_22 step %scan3A_23 iter_args(%scan3A_27 = %scan3A) -> (i32)  : i32 {
        %mul3A_28 = arith.constant 2 : i32
        %mul3A_29 = arith.muli %scan3A_26, %mul3A_28 : i32
        %add3A = arith.constant 1 : i32
        %add3A_30 = arith.addi %mul3A_29, %add3A : i32
        %lt3A = arith.constant 157 : i32
        %lt3A_31 = arith.cmpi slt, %add3A_30, %lt3A : i32
        %convert_element_type3A_32 = arith.extui %lt3A_31 : i1 to i32
        %cond3A_33 = arith.constant 0 : i32
        %cond3A_34 = arith.cmpi ne, %convert_element_type3A_32, %cond3A_33 : i32
        scf.if %cond3A_34 {
          %add3A_60 = arith.constant 1 : i32
          %add3A_61 = arith.addi %mul3A_29, %add3A_60 : i32
          %dma_start3A_62 = arith.constant 1 : i32
          %dma_start3A_63 = arith.constant 0 : i32
          %dma_start3A_64 = arith.constant 0 : i32
          %dma_start3A_65 = tpu.memref_slice %arg10[%dma_start3A_62, %dma_start3A_63, %dma_start3A_64] : memref<2x128x64xf32, #tpu.memory_space<vmem>> -> memref<1x128x64xf32, #tpu.memory_space<vmem>>
          %dma_start3A_66 = tpu.memref_squeeze %dma_start3A_65 : memref<1x128x64xf32, #tpu.memory_space<vmem>> -> memref<128x64xf32, #tpu.memory_space<vmem>>
          %dma_start3A_67 = arith.constant 0 : i32
          %dma_start3A_68 = tpu.memref_slice %arg8[%add3A_61, %dma_start3A_67] : memref<157x128xi32, #tpu.memory_space<vmem>> -> memref<1x128xi32, #tpu.memory_space<vmem>>
          %dma_start3A_69 = tpu.memref_squeeze %dma_start3A_68 : memref<1x128xi32, #tpu.memory_space<vmem>> -> memref<128xi32, #tpu.memory_space<vmem>>
          %dma_start3A_70 = arith.constant 0 : i32
          %dma_start3A_71 = arith.constant 0 : i32
          %dma_start3A_72 = tpu.memref_slice %arg3[%dma_start3A_70, %dma_start3A_71] : memref<10240x64xf32, #tpu.memory_space<hbm>> -> memref<10240x64xf32, #tpu.memory_space<hbm>>
          tpu.enqueue_indirect_dma source(%dma_start3A_72 : memref<10240x64xf32, #tpu.memory_space<hbm>>) target(%dma_start3A_66 : memref<128x64xf32, #tpu.memory_space<vmem>>) offsets(%dma_start3A_69 : memref<128xi32, #tpu.memory_space<vmem>>) semaphore(%arg13 : memref<!tpu.dma_semaphore, #tpu.memory_space<semaphore_mem>>)
        } else {
        }
        %dma_wait3A = arith.constant 0 : i32
        %dma_wait3A_35 = arith.constant 0 : i32
        %dma_wait3A_36 = arith.constant 0 : i32
        %dma_wait3A_37 = tpu.memref_slice %arg10[%dma_wait3A, %dma_wait3A_35, %dma_wait3A_36] : memref<2x128x64xf32, #tpu.memory_space<vmem>> -> memref<1x128x64xf32, #tpu.memory_space<vmem>>
        %dma_wait3A_38 = tpu.memref_squeeze %dma_wait3A_37 : memref<1x128x64xf32, #tpu.memory_space<vmem>> -> memref<128x64xf32, #tpu.memory_space<vmem>>
        %dma_wait3A_39 = arith.constant 0 : i32
        %dma_wait3A_40 = tpu.memref_slice %arg8[%mul3A_29, %dma_wait3A_39] : memref<157x128xi32, #tpu.memory_space<vmem>> -> memref<1x128xi32, #tpu.memory_space<vmem>>
        %dma_wait3A_41 = tpu.memref_squeeze %dma_wait3A_40 : memref<1x128xi32, #tpu.memory_space<vmem>> -> memref<128xi32, #tpu.memory_space<vmem>>
        %dma_wait3A_42 = arith.constant 0 : i32
        %dma_wait3A_43 = arith.constant 0 : i32
        %dma_wait3A_44 = tpu.memref_slice %arg3[%dma_wait3A_42, %dma_wait3A_43] : memref<10240x64xf32, #tpu.memory_space<hbm>> -> memref<10240x64xf32, #tpu.memory_space<hbm>>
        tpu.wait_indirect_dma semaphore(%arg12 : memref<!tpu.dma_semaphore, #tpu.memory_space<semaphore_mem>>) src(%dma_wait3A_44 : memref<10240x64xf32, #tpu.memory_space<hbm>>) dst(%dma_wait3A_38 : memref<128x64xf32, #tpu.memory_space<vmem>>)
        %run_scoped3A = arith.constant 0 : i32
        "tpu.region"() ({
          %run_scoped3A_60 = tpu.sem_alloc : memref<!tpu.dma_semaphore, #tpu.memory_space<semaphore_mem>>
          %dma_start3A_61 = arith.constant 0 : i32
          %dma_start3A_62 = arith.constant 0 : i32
          %dma_start3A_63 = tpu.memref_slice %arg10[%run_scoped3A, %dma_start3A_61, %dma_start3A_62] : memref<2x128x64xf32, #tpu.memory_space<vmem>> -> memref<1x128x64xf32, #tpu.memory_space<vmem>>
          %dma_start3A_64 = tpu.memref_squeeze %dma_start3A_63 : memref<1x128x64xf32, #tpu.memory_space<vmem>> -> memref<128x64xf32, #tpu.memory_space<vmem>>
          %dma_start3A_65 = arith.constant 0 : i32
          %dma_start3A_66 = tpu.memref_slice %arg9[%mul3A_29, %dma_start3A_65] : memref<157x128xi32, #tpu.memory_space<vmem>> -> memref<1x128xi32, #tpu.memory_space<vmem>>
          %dma_start3A_67 = tpu.memref_squeeze %dma_start3A_66 : memref<1x128xi32, #tpu.memory_space<vmem>> -> memref<128xi32, #tpu.memory_space<vmem>>
          %dma_start3A_68 = arith.constant 0 : i32
          %dma_start3A_69 = arith.constant 0 : i32
          %dma_start3A_70 = tpu.memref_slice %arg11[%dma_start3A_68, %dma_start3A_69] : memref<10240x64xf32, #tpu.memory_space<vmem_shared>> -> memref<10240x64xf32, #tpu.memory_space<vmem_shared>>
          tpu.enqueue_indirect_dma source(%dma_start3A_64 : memref<128x64xf32, #tpu.memory_space<vmem>>) target(%dma_start3A_70 : memref<10240x64xf32, #tpu.memory_space<vmem_shared>>) offsets(%dma_start3A_67 : memref<128xi32, #tpu.memory_space<vmem>>) semaphore(%run_scoped3A_60 : memref<!tpu.dma_semaphore, #tpu.memory_space<semaphore_mem>>) {add = true}
          %dma_wait3A_71 = arith.constant 0 : i32
          %dma_wait3A_72 = arith.constant 0 : i32
          %dma_wait3A_73 = tpu.memref_slice %arg10[%run_scoped3A, %dma_wait3A_71, %dma_wait3A_72] : memref<2x128x64xf32, #tpu.memory_space<vmem>> -> memref<1x128x64xf32, #tpu.memory_space<vmem>>
          %dma_wait3A_74 = tpu.memref_squeeze %dma_wait3A_73 : memref<1x128x64xf32, #tpu.memory_space<vmem>> -> memref<128x64xf32, #tpu.memory_space<vmem>>
          %dma_wait3A_75 = arith.constant 0 : i32
          %dma_wait3A_76 = tpu.memref_slice %arg9[%mul3A_29, %dma_wait3A_75] : memref<157x128xi32, #tpu.memory_space<vmem>> -> memref<1x128xi32, #tpu.memory_space<vmem>>
          %dma_wait3A_77 = tpu.memref_squeeze %dma_wait3A_76 : memref<1x128xi32, #tpu.memory_space<vmem>> -> memref<128xi32, #tpu.memory_space<vmem>>
          %dma_wait3A_78 = arith.constant 0 : i32
          %dma_wait3A_79 = arith.constant 0 : i32
          %dma_wait3A_80 = tpu.memref_slice %arg11[%dma_wait3A_78, %dma_wait3A_79] : memref<10240x64xf32, #tpu.memory_space<vmem_shared>> -> memref<10240x64xf32, #tpu.memory_space<vmem_shared>>
          tpu.wait_indirect_dma semaphore(%run_scoped3A_60 : memref<!tpu.dma_semaphore, #tpu.memory_space<semaphore_mem>>) src(%dma_wait3A_74 : memref<128x64xf32, #tpu.memory_space<vmem>>) dst(%dma_wait3A_80 : memref<10240x64xf32, #tpu.memory_space<vmem_shared>>)
          tpu.yield
        }) : () -> ()
        %add3A_45 = arith.constant 2 : i32
        %add3A_46 = arith.addi %mul3A_29, %add3A_45 : i32
        %lt3A_47 = arith.constant 157 : i32
        %lt3A_48 = arith.cmpi slt, %add3A_46, %lt3A_47 : i32
        %convert_element_type3A_49 = arith.extui %lt3A_48 : i1 to i32
        %cond3A_50 = arith.constant 0 : i32
        %cond3A_51 = arith.cmpi ne, %convert_element_type3A_49, %cond3A_50 : i32
        scf.if %cond3A_51 {
          %add3A_60 = arith.constant 2 : i32
          %add3A_61 = arith.addi %mul3A_29, %add3A_60 : i32
          %dma_start3A_62 = arith.constant 0 : i32
          %dma_start3A_63 = arith.constant 0 : i32
          %dma_start3A_64 = arith.constant 0 : i32
          %dma_start3A_65 = tpu.memref_slice %arg10[%dma_start3A_62, %dma_start3A_63, %dma_start3A_64] : memref<2x128x64xf32, #tpu.memory_space<vmem>> -> memref<1x128x64xf32, #tpu.memory_space<vmem>>
          %dma_start3A_66 = tpu.memref_squeeze %dma_start3A_65 : memref<1x128x64xf32, #tpu.memory_space<vmem>> -> memref<128x64xf32, #tpu.memory_space<vmem>>
          %dma_start3A_67 = arith.constant 0 : i32
          %dma_start3A_68 = tpu.memref_slice %arg8[%add3A_61, %dma_start3A_67] : memref<157x128xi32, #tpu.memory_space<vmem>> -> memref<1x128xi32, #tpu.memory_space<vmem>>
          %dma_start3A_69 = tpu.memref_squeeze %dma_start3A_68 : memref<1x128xi32, #tpu.memory_space<vmem>> -> memref<128xi32, #tpu.memory_space<vmem>>
          %dma_start3A_70 = arith.constant 0 : i32
          %dma_start3A_71 = arith.constant 0 : i32
          %dma_start3A_72 = tpu.memref_slice %arg3[%dma_start3A_70, %dma_start3A_71] : memref<10240x64xf32, #tpu.memory_space<hbm>> -> memref<10240x64xf32, #tpu.memory_space<hbm>>
          tpu.enqueue_indirect_dma source(%dma_start3A_72 : memref<10240x64xf32, #tpu.memory_space<hbm>>) target(%dma_start3A_66 : memref<128x64xf32, #tpu.memory_space<vmem>>) offsets(%dma_start3A_69 : memref<128xi32, #tpu.memory_space<vmem>>) semaphore(%arg12 : memref<!tpu.dma_semaphore, #tpu.memory_space<semaphore_mem>>)
        } else {
        }
        %add3A_52 = arith.constant 1 : i32
        %add3A_53 = arith.addi %mul3A_29, %add3A_52 : i32
        %lt3A_54 = arith.constant 157 : i32
        %lt3A_55 = arith.cmpi slt, %add3A_53, %lt3A_54 : i32
        %convert_element_type3A_56 = arith.extui %lt3A_55 : i1 to i32
        %cond3A_57 = arith.constant 0 : i32
        %cond3A_58 = arith.cmpi ne, %convert_element_type3A_56, %cond3A_57 : i32
        scf.if %cond3A_58 {
          %add3A_60 = arith.constant 1 : i32
          %add3A_61 = arith.addi %mul3A_29, %add3A_60 : i32
          %dma_wait3A_62 = arith.constant 1 : i32
          %dma_wait3A_63 = arith.constant 0 : i32
          %dma_wait3A_64 = arith.constant 0 : i32
          %dma_wait3A_65 = tpu.memref_slice %arg10[%dma_wait3A_62, %dma_wait3A_63, %dma_wait3A_64] : memref<2x128x64xf32, #tpu.memory_space<vmem>> -> memref<1x128x64xf32, #tpu.memory_space<vmem>>
          %dma_wait3A_66 = tpu.memref_squeeze %dma_wait3A_65 : memref<1x128x64xf32, #tpu.memory_space<vmem>> -> memref<128x64xf32, #tpu.memory_space<vmem>>
          %dma_wait3A_67 = arith.constant 0 : i32
          %dma_wait3A_68 = tpu.memref_slice %arg8[%add3A_61, %dma_wait3A_67] : memref<157x128xi32, #tpu.memory_space<vmem>> -> memref<1x128xi32, #tpu.memory_space<vmem>>
          %dma_wait3A_69 = tpu.memref_squeeze %dma_wait3A_68 : memref<1x128xi32, #tpu.memory_space<vmem>> -> memref<128xi32, #tpu.memory_space<vmem>>
          %dma_wait3A_70 = arith.constant 0 : i32
          %dma_wait3A_71 = arith.constant 0 : i32
          %dma_wait3A_72 = tpu.memref_slice %arg3[%dma_wait3A_70, %dma_wait3A_71] : memref<10240x64xf32, #tpu.memory_space<hbm>> -> memref<10240x64xf32, #tpu.memory_space<hbm>>
          tpu.wait_indirect_dma semaphore(%arg13 : memref<!tpu.dma_semaphore, #tpu.memory_space<semaphore_mem>>) src(%dma_wait3A_72 : memref<10240x64xf32, #tpu.memory_space<hbm>>) dst(%dma_wait3A_66 : memref<128x64xf32, #tpu.memory_space<vmem>>)
          %add3A_73 = arith.constant 1 : i32
          %add3A_74 = arith.addi %mul3A_29, %add3A_73 : i32
          %run_scoped3A_75 = arith.constant 1 : i32
          "tpu.region"() ({
            %run_scoped3A_76 = tpu.sem_alloc : memref<!tpu.dma_semaphore, #tpu.memory_space<semaphore_mem>>
            %dma_start3A_77 = arith.constant 0 : i32
            %dma_start3A_78 = arith.constant 0 : i32
            %dma_start3A_79 = tpu.memref_slice %arg10[%run_scoped3A_75, %dma_start3A_77, %dma_start3A_78] : memref<2x128x64xf32, #tpu.memory_space<vmem>> -> memref<1x128x64xf32, #tpu.memory_space<vmem>>
            %dma_start3A_80 = tpu.memref_squeeze %dma_start3A_79 : memref<1x128x64xf32, #tpu.memory_space<vmem>> -> memref<128x64xf32, #tpu.memory_space<vmem>>
            %dma_start3A_81 = arith.constant 0 : i32
            %dma_start3A_82 = tpu.memref_slice %arg9[%add3A_74, %dma_start3A_81] : memref<157x128xi32, #tpu.memory_space<vmem>> -> memref<1x128xi32, #tpu.memory_space<vmem>>
            %dma_start3A_83 = tpu.memref_squeeze %dma_start3A_82 : memref<1x128xi32, #tpu.memory_space<vmem>> -> memref<128xi32, #tpu.memory_space<vmem>>
            %dma_start3A_84 = arith.constant 0 : i32
            %dma_start3A_85 = arith.constant 0 : i32
            %dma_start3A_86 = tpu.memref_slice %arg11[%dma_start3A_84, %dma_start3A_85] : memref<10240x64xf32, #tpu.memory_space<vmem_shared>> -> memref<10240x64xf32, #tpu.memory_space<vmem_shared>>
            tpu.enqueue_indirect_dma source(%dma_start3A_80 : memref<128x64xf32, #tpu.memory_space<vmem>>) target(%dma_start3A_86 : memref<10240x64xf32, #tpu.memory_space<vmem_shared>>) offsets(%dma_start3A_83 : memref<128xi32, #tpu.memory_space<vmem>>) semaphore(%run_scoped3A_76 : memref<!tpu.dma_semaphore, #tpu.memory_space<semaphore_mem>>) {add = true}
            %dma_wait3A_87 = arith.constant 0 : i32
            %dma_wait3A_88 = arith.constant 0 : i32
            %dma_wait3A_89 = tpu.memref_slice %arg10[%run_scoped3A_75, %dma_wait3A_87, %dma_wait3A_88] : memref<2x128x64xf32, #tpu.memory_space<vmem>> -> memref<1x128x64xf32, #tpu.memory_space<vmem>>
            %dma_wait3A_90 = tpu.memref_squeeze %dma_wait3A_89 : memref<1x128x64xf32, #tpu.memory_space<vmem>> -> memref<128x64xf32, #tpu.memory_space<vmem>>
            %dma_wait3A_91 = arith.constant 0 : i32
            %dma_wait3A_92 = tpu.memref_slice %arg9[%add3A_74, %dma_wait3A_91] : memref<157x128xi32, #tpu.memory_space<vmem>> -> memref<1x128xi32, #tpu.memory_space<vmem>>
            %dma_wait3A_93 = tpu.memref_squeeze %dma_wait3A_92 : memref<1x128xi32, #tpu.memory_space<vmem>> -> memref<128xi32, #tpu.memory_space<vmem>>
            %dma_wait3A_94 = arith.constant 0 : i32
            %dma_wait3A_95 = arith.constant 0 : i32
            %dma_wait3A_96 = tpu.memref_slice %arg11[%dma_wait3A_94, %dma_wait3A_95] : memref<10240x64xf32, #tpu.memory_space<vmem_shared>> -> memref<10240x64xf32, #tpu.memory_space<vmem_shared>>
            tpu.wait_indirect_dma semaphore(%run_scoped3A_76 : memref<!tpu.dma_semaphore, #tpu.memory_space<semaphore_mem>>) src(%dma_wait3A_90 : memref<128x64xf32, #tpu.memory_space<vmem>>) dst(%dma_wait3A_96 : memref<10240x64xf32, #tpu.memory_space<vmem_shared>>)
            tpu.yield
          }) : () -> ()
        } else {
        }
        %scan3A_59 = arith.constant 0 : i32
        scf.yield %scan3A_59 : i32
      }
      %scan3A_25 = arith.constant 79 : i32
    } else {
    }
    %barrier3A_8 = arith.constant 0 : index
    tpu.barrier barrier_id(%barrier3A_8)
    "tpu.region"() ({
      %run_scoped3A = tpu.sem_alloc : memref<!tpu.dma_semaphore, #tpu.memory_space<semaphore_mem>>
      %dma_start3A = arith.constant 0 : i32
      %dma_start3A_9 = tpu.memref_slice %arg7[%arg0, %mul3A_0, %dma_start3A] : memref<2x10240x64xf32, #tpu.memory_space<hbm>> -> memref<1x640x64xf32, #tpu.memory_space<hbm>>
      %dma_start3A_10 = tpu.memref_squeeze %dma_start3A_9 : memref<1x640x64xf32, #tpu.memory_space<hbm>> -> memref<640x64xf32, #tpu.memory_space<hbm>>
      %dma_start3A_11 = arith.constant 0 : i32
      %dma_start3A_12 = tpu.memref_slice %arg11[%mul3A_0, %dma_start3A_11] : memref<10240x64xf32, #tpu.memory_space<vmem_shared>> -> memref<640x64xf32, #tpu.memory_space<vmem_shared>>
      tpu.enqueue_dma source(%dma_start3A_12 : memref<640x64xf32, #tpu.memory_space<vmem_shared>>) target(%dma_start3A_10 : memref<640x64xf32, #tpu.memory_space<hbm>>) target_semaphore(%run_scoped3A : memref<!tpu.dma_semaphore, #tpu.memory_space<semaphore_mem>>)
      %dma_wait3A = arith.constant 0 : i32
      %dma_wait3A_13 = tpu.memref_slice %arg7[%arg0, %mul3A_0, %dma_wait3A] : memref<2x10240x64xf32, #tpu.memory_space<hbm>> -> memref<1x640x64xf32, #tpu.memory_space<hbm>>
      %dma_wait3A_14 = tpu.memref_squeeze %dma_wait3A_13 : memref<1x640x64xf32, #tpu.memory_space<hbm>> -> memref<640x64xf32, #tpu.memory_space<hbm>>
      %dma_wait3A_15 = arith.constant 0 : i32
      %dma_wait3A_16 = tpu.memref_slice %arg11[%mul3A_0, %dma_wait3A_15] : memref<10240x64xf32, #tpu.memory_space<vmem_shared>> -> memref<640x64xf32, #tpu.memory_space<vmem_shared>>
      tpu.wait_dma2 semaphore(%run_scoped3A : memref<!tpu.dma_semaphore, #tpu.memory_space<semaphore_mem>>) src(%dma_wait3A_16 : memref<640x64xf32, #tpu.memory_space<vmem_shared>>) dst(%dma_wait3A_14 : memref<640x64xf32, #tpu.memory_space<hbm>>)
      tpu.yield
    }) : () -> ()
    return
  }
}

#map = affine_map<(d0, d1) -> (0, 0)>
#map1 = affine_map<(d0, d1) -> (0, 0, 0)>
module attributes {stable_mosaic.version = 14 : i64} {
  func.func @seg(%arg0: i32, %arg1: i32, %arg2: memref<10240x32xf32, #tpu.memory_space<hbm>>, %arg3: memref<32x79x128xi32, #tpu.memory_space<hbm>>, %arg4: memref<32x79x128xi32, #tpu.memory_space<hbm>>, %arg5: memref<10240x32xf32, #tpu.memory_space<hbm>>, %arg6: memref<2x10240x32xf32, #tpu.memory_space<hbm>>, %arg7: memref<79x128xi32, #tpu.memory_space<vmem>>, %arg8: memref<79x128xi32, #tpu.memory_space<vmem>>, %arg9: memref<2x128x32xf32, #tpu.memory_space<vmem>>, %arg10: memref<10240x32xf32, #tpu.memory_space<vmem_shared>>, %arg11: memref<!tpu.dma_semaphore, #tpu.memory_space<semaphore_mem>>, %arg12: memref<!tpu.dma_semaphore, #tpu.memory_space<semaphore_mem>>) attributes {dimension_semantics = [#tpu.dimension_semantics<core_parallel>, #tpu.dimension_semantics<subcore_parallel>], iteration_bounds = array<i64: 2, 16>, scalar_prefetch = 0 : i64, scratch_operands = 6 : i64, tpu.core_type = #tpu.core_type<sc_vector_subcore>, window_params = [{transform_indices = #map}, {transform_indices = #map1}, {transform_indices = #map1}, {transform_indices = #map}, {transform_indices = #map1}]} {
    %mul3A = arith.constant 16 : i32
    %mul3A_0 = arith.muli %arg0, %mul3A : i32
    %add3A = arith.addi %mul3A_0, %arg1 : i32
    %mul3A_1 = arith.constant 640 : i32
    %mul3A_2 = arith.muli %arg1, %mul3A_1 : i32
    "tpu.region"() ({
      %run_scoped3A = tpu.sem_alloc : memref<!tpu.dma_semaphore, #tpu.memory_space<semaphore_mem>>
      %dma_start3A_21 = arith.constant 0 : i32
      %dma_start3A_22 = tpu.memref_slice %arg10[%mul3A_2, %dma_start3A_21] : memref<10240x32xf32, #tpu.memory_space<vmem_shared>> -> memref<640x32xf32, #tpu.memory_space<vmem_shared>>
      %dma_start3A_23 = arith.constant 0 : i32
      %dma_start3A_24 = tpu.memref_slice %arg5[%mul3A_2, %dma_start3A_23] : memref<10240x32xf32, #tpu.memory_space<hbm>> -> memref<640x32xf32, #tpu.memory_space<hbm>>
      tpu.enqueue_dma source(%dma_start3A_24 : memref<640x32xf32, #tpu.memory_space<hbm>>) target(%dma_start3A_22 : memref<640x32xf32, #tpu.memory_space<vmem_shared>>) target_semaphore(%run_scoped3A : memref<!tpu.dma_semaphore, #tpu.memory_space<semaphore_mem>>)
      %dma_wait3A = arith.constant 0 : i32
      %dma_wait3A_25 = tpu.memref_slice %arg10[%mul3A_2, %dma_wait3A] : memref<10240x32xf32, #tpu.memory_space<vmem_shared>> -> memref<640x32xf32, #tpu.memory_space<vmem_shared>>
      %dma_wait3A_26 = arith.constant 0 : i32
      %dma_wait3A_27 = tpu.memref_slice %arg5[%mul3A_2, %dma_wait3A_26] : memref<10240x32xf32, #tpu.memory_space<hbm>> -> memref<640x32xf32, #tpu.memory_space<hbm>>
      tpu.wait_dma2 semaphore(%run_scoped3A : memref<!tpu.dma_semaphore, #tpu.memory_space<semaphore_mem>>) src(%dma_wait3A_27 : memref<640x32xf32, #tpu.memory_space<hbm>>) dst(%dma_wait3A_25 : memref<640x32xf32, #tpu.memory_space<vmem_shared>>)
      tpu.yield
    }) : () -> ()
    "tpu.region"() ({
      %run_scoped3A = tpu.sem_alloc : memref<!tpu.dma_semaphore, #tpu.memory_space<semaphore_mem>>
      %dma_start3A_21 = arith.constant 0 : i32
      %dma_start3A_22 = arith.constant 0 : i32
      %dma_start3A_23 = tpu.memref_slice %arg3[%add3A, %dma_start3A_21, %dma_start3A_22] : memref<32x79x128xi32, #tpu.memory_space<hbm>> -> memref<1x79x128xi32, #tpu.memory_space<hbm>>
      %dma_start3A_24 = tpu.memref_squeeze %dma_start3A_23 : memref<1x79x128xi32, #tpu.memory_space<hbm>> -> memref<79x128xi32, #tpu.memory_space<hbm>>
      %dma_start3A_25 = arith.constant 0 : i32
      %dma_start3A_26 = arith.constant 0 : i32
      %dma_start3A_27 = tpu.memref_slice %arg3[%add3A, %dma_start3A_25, %dma_start3A_26] : memref<32x79x128xi32, #tpu.memory_space<hbm>> -> memref<1x79x128xi32, #tpu.memory_space<hbm>>
      %dma_start3A_28 = tpu.memref_squeeze %dma_start3A_27 : memref<1x79x128xi32, #tpu.memory_space<hbm>> -> memref<79x128xi32, #tpu.memory_space<hbm>>
      tpu.enqueue_dma source(%dma_start3A_28 : memref<79x128xi32, #tpu.memory_space<hbm>>) target(%arg7 : memref<79x128xi32, #tpu.memory_space<vmem>>) target_semaphore(%run_scoped3A : memref<!tpu.dma_semaphore, #tpu.memory_space<semaphore_mem>>)
      %dma_wait3A = arith.constant 0 : i32
      %dma_wait3A_29 = arith.constant 0 : i32
      %dma_wait3A_30 = tpu.memref_slice %arg3[%add3A, %dma_wait3A, %dma_wait3A_29] : memref<32x79x128xi32, #tpu.memory_space<hbm>> -> memref<1x79x128xi32, #tpu.memory_space<hbm>>
      %dma_wait3A_31 = tpu.memref_squeeze %dma_wait3A_30 : memref<1x79x128xi32, #tpu.memory_space<hbm>> -> memref<79x128xi32, #tpu.memory_space<hbm>>
      %dma_wait3A_32 = arith.constant 0 : i32
      %dma_wait3A_33 = arith.constant 0 : i32
      %dma_wait3A_34 = tpu.memref_slice %arg3[%add3A, %dma_wait3A_32, %dma_wait3A_33] : memref<32x79x128xi32, #tpu.memory_space<hbm>> -> memref<1x79x128xi32, #tpu.memory_space<hbm>>
      %dma_wait3A_35 = tpu.memref_squeeze %dma_wait3A_34 : memref<1x79x128xi32, #tpu.memory_space<hbm>> -> memref<79x128xi32, #tpu.memory_space<hbm>>
      tpu.wait_dma2 semaphore(%run_scoped3A : memref<!tpu.dma_semaphore, #tpu.memory_space<semaphore_mem>>) src(%dma_wait3A_35 : memref<79x128xi32, #tpu.memory_space<hbm>>) dst(%arg7 : memref<79x128xi32, #tpu.memory_space<vmem>>)
      tpu.yield
    }) : () -> ()
    "tpu.region"() ({
      %run_scoped3A = tpu.sem_alloc : memref<!tpu.dma_semaphore, #tpu.memory_space<semaphore_mem>>
      %dma_start3A_21 = arith.constant 0 : i32
      %dma_start3A_22 = arith.constant 0 : i32
      %dma_start3A_23 = tpu.memref_slice %arg4[%add3A, %dma_start3A_21, %dma_start3A_22] : memref<32x79x128xi32, #tpu.memory_space<hbm>> -> memref<1x79x128xi32, #tpu.memory_space<hbm>>
      %dma_start3A_24 = tpu.memref_squeeze %dma_start3A_23 : memref<1x79x128xi32, #tpu.memory_space<hbm>> -> memref<79x128xi32, #tpu.memory_space<hbm>>
      %dma_start3A_25 = arith.constant 0 : i32
      %dma_start3A_26 = arith.constant 0 : i32
      %dma_start3A_27 = tpu.memref_slice %arg4[%add3A, %dma_start3A_25, %dma_start3A_26] : memref<32x79x128xi32, #tpu.memory_space<hbm>> -> memref<1x79x128xi32, #tpu.memory_space<hbm>>
      %dma_start3A_28 = tpu.memref_squeeze %dma_start3A_27 : memref<1x79x128xi32, #tpu.memory_space<hbm>> -> memref<79x128xi32, #tpu.memory_space<hbm>>
      tpu.enqueue_dma source(%dma_start3A_28 : memref<79x128xi32, #tpu.memory_space<hbm>>) target(%arg8 : memref<79x128xi32, #tpu.memory_space<vmem>>) target_semaphore(%run_scoped3A : memref<!tpu.dma_semaphore, #tpu.memory_space<semaphore_mem>>)
      %dma_wait3A = arith.constant 0 : i32
      %dma_wait3A_29 = arith.constant 0 : i32
      %dma_wait3A_30 = tpu.memref_slice %arg4[%add3A, %dma_wait3A, %dma_wait3A_29] : memref<32x79x128xi32, #tpu.memory_space<hbm>> -> memref<1x79x128xi32, #tpu.memory_space<hbm>>
      %dma_wait3A_31 = tpu.memref_squeeze %dma_wait3A_30 : memref<1x79x128xi32, #tpu.memory_space<hbm>> -> memref<79x128xi32, #tpu.memory_space<hbm>>
      %dma_wait3A_32 = arith.constant 0 : i32
      %dma_wait3A_33 = arith.constant 0 : i32
      %dma_wait3A_34 = tpu.memref_slice %arg4[%add3A, %dma_wait3A_32, %dma_wait3A_33] : memref<32x79x128xi32, #tpu.memory_space<hbm>> -> memref<1x79x128xi32, #tpu.memory_space<hbm>>
      %dma_wait3A_35 = tpu.memref_squeeze %dma_wait3A_34 : memref<1x79x128xi32, #tpu.memory_space<hbm>> -> memref<79x128xi32, #tpu.memory_space<hbm>>
      tpu.wait_dma2 semaphore(%run_scoped3A : memref<!tpu.dma_semaphore, #tpu.memory_space<semaphore_mem>>) src(%dma_wait3A_35 : memref<79x128xi32, #tpu.memory_space<hbm>>) dst(%arg8 : memref<79x128xi32, #tpu.memory_space<vmem>>)
      tpu.yield
    }) : () -> ()
    %barrier3A = arith.constant 0 : index
    tpu.barrier barrier_id(%barrier3A)
    %dma_start3A = arith.constant 0 : i32
    %dma_start3A_3 = arith.constant 0 : i32
    %dma_start3A_4 = arith.constant 0 : i32
    %dma_start3A_5 = arith.constant 0 : i32
    %dma_start3A_6 = tpu.memref_slice %arg9[%dma_start3A_3, %dma_start3A_4, %dma_start3A_5] : memref<2x128x32xf32, #tpu.memory_space<vmem>> -> memref<1x128x32xf32, #tpu.memory_space<vmem>>
    %dma_start3A_7 = tpu.memref_squeeze %dma_start3A_6 : memref<1x128x32xf32, #tpu.memory_space<vmem>> -> memref<128x32xf32, #tpu.memory_space<vmem>>
    %dma_start3A_8 = arith.constant 0 : i32
    %dma_start3A_9 = tpu.memref_slice %arg7[%dma_start3A, %dma_start3A_8] : memref<79x128xi32, #tpu.memory_space<vmem>> -> memref<1x128xi32, #tpu.memory_space<vmem>>
    %dma_start3A_10 = tpu.memref_squeeze %dma_start3A_9 : memref<1x128xi32, #tpu.memory_space<vmem>> -> memref<128xi32, #tpu.memory_space<vmem>>
    %dma_start3A_11 = arith.constant 0 : i32
    %dma_start3A_12 = arith.constant 0 : i32
    %dma_start3A_13 = tpu.memref_slice %arg2[%dma_start3A_11, %dma_start3A_12] : memref<10240x32xf32, #tpu.memory_space<hbm>> -> memref<10240x32xf32, #tpu.memory_space<hbm>>
    tpu.enqueue_indirect_dma source(%dma_start3A_13 : memref<10240x32xf32, #tpu.memory_space<hbm>>) target(%dma_start3A_7 : memref<128x32xf32, #tpu.memory_space<vmem>>) offsets(%dma_start3A_10 : memref<128xi32, #tpu.memory_space<vmem>>) semaphore(%arg11 : memref<!tpu.dma_semaphore, #tpu.memory_space<semaphore_mem>>)
    %scan3A = arith.constant 0 : i32
    %scan3A_14 = arith.constant 0 : i32
    %scan3A_15 = arith.constant 40 : i32
    %scan3A_16 = arith.addi %scan3A_14, %scan3A_15 : i32
    %scan3A_17 = arith.constant 1 : i32
    %scan3A_18 = scf.for %scan3A_21 = %scan3A_14 to %scan3A_16 step %scan3A_17 iter_args(%scan3A_22 = %scan3A) -> (i32)  : i32 {
      %mul3A_23 = arith.constant 2 : i32
      %mul3A_24 = arith.muli %scan3A_21, %mul3A_23 : i32
      %add3A_25 = arith.constant 1 : i32
      %add3A_26 = arith.addi %mul3A_24, %add3A_25 : i32
      %lt3A = arith.constant 79 : i32
      %lt3A_27 = arith.cmpi slt, %add3A_26, %lt3A : i32
      %convert_element_type3A = arith.extui %lt3A_27 : i1 to i32
      %cond3A = arith.constant 0 : i32
      %cond3A_28 = arith.cmpi ne, %convert_element_type3A, %cond3A : i32
      scf.if %cond3A_28 {
        %add3A_54 = arith.constant 1 : i32
        %add3A_55 = arith.addi %mul3A_24, %add3A_54 : i32
        %dma_start3A_56 = arith.constant 1 : i32
        %dma_start3A_57 = arith.constant 0 : i32
        %dma_start3A_58 = arith.constant 0 : i32
        %dma_start3A_59 = tpu.memref_slice %arg9[%dma_start3A_56, %dma_start3A_57, %dma_start3A_58] : memref<2x128x32xf32, #tpu.memory_space<vmem>> -> memref<1x128x32xf32, #tpu.memory_space<vmem>>
        %dma_start3A_60 = tpu.memref_squeeze %dma_start3A_59 : memref<1x128x32xf32, #tpu.memory_space<vmem>> -> memref<128x32xf32, #tpu.memory_space<vmem>>
        %dma_start3A_61 = arith.constant 0 : i32
        %dma_start3A_62 = tpu.memref_slice %arg7[%add3A_55, %dma_start3A_61] : memref<79x128xi32, #tpu.memory_space<vmem>> -> memref<1x128xi32, #tpu.memory_space<vmem>>
        %dma_start3A_63 = tpu.memref_squeeze %dma_start3A_62 : memref<1x128xi32, #tpu.memory_space<vmem>> -> memref<128xi32, #tpu.memory_space<vmem>>
        %dma_start3A_64 = arith.constant 0 : i32
        %dma_start3A_65 = arith.constant 0 : i32
        %dma_start3A_66 = tpu.memref_slice %arg2[%dma_start3A_64, %dma_start3A_65] : memref<10240x32xf32, #tpu.memory_space<hbm>> -> memref<10240x32xf32, #tpu.memory_space<hbm>>
        tpu.enqueue_indirect_dma source(%dma_start3A_66 : memref<10240x32xf32, #tpu.memory_space<hbm>>) target(%dma_start3A_60 : memref<128x32xf32, #tpu.memory_space<vmem>>) offsets(%dma_start3A_63 : memref<128xi32, #tpu.memory_space<vmem>>) semaphore(%arg12 : memref<!tpu.dma_semaphore, #tpu.memory_space<semaphore_mem>>)
      } else {
      }
      %dma_wait3A = arith.constant 0 : i32
      %dma_wait3A_29 = arith.constant 0 : i32
      %dma_wait3A_30 = arith.constant 0 : i32
      %dma_wait3A_31 = tpu.memref_slice %arg9[%dma_wait3A, %dma_wait3A_29, %dma_wait3A_30] : memref<2x128x32xf32, #tpu.memory_space<vmem>> -> memref<1x128x32xf32, #tpu.memory_space<vmem>>
      %dma_wait3A_32 = tpu.memref_squeeze %dma_wait3A_31 : memref<1x128x32xf32, #tpu.memory_space<vmem>> -> memref<128x32xf32, #tpu.memory_space<vmem>>
      %dma_wait3A_33 = arith.constant 0 : i32
      %dma_wait3A_34 = tpu.memref_slice %arg7[%mul3A_24, %dma_wait3A_33] : memref<79x128xi32, #tpu.memory_space<vmem>> -> memref<1x128xi32, #tpu.memory_space<vmem>>
      %dma_wait3A_35 = tpu.memref_squeeze %dma_wait3A_34 : memref<1x128xi32, #tpu.memory_space<vmem>> -> memref<128xi32, #tpu.memory_space<vmem>>
      %dma_wait3A_36 = arith.constant 0 : i32
      %dma_wait3A_37 = arith.constant 0 : i32
      %dma_wait3A_38 = tpu.memref_slice %arg2[%dma_wait3A_36, %dma_wait3A_37] : memref<10240x32xf32, #tpu.memory_space<hbm>> -> memref<10240x32xf32, #tpu.memory_space<hbm>>
      tpu.wait_indirect_dma semaphore(%arg11 : memref<!tpu.dma_semaphore, #tpu.memory_space<semaphore_mem>>) src(%dma_wait3A_38 : memref<10240x32xf32, #tpu.memory_space<hbm>>) dst(%dma_wait3A_32 : memref<128x32xf32, #tpu.memory_space<vmem>>)
      %run_scoped3A = arith.constant 0 : i32
      "tpu.region"() ({
        %run_scoped3A_54 = tpu.sem_alloc : memref<!tpu.dma_semaphore, #tpu.memory_space<semaphore_mem>>
        %dma_start3A_55 = arith.constant 0 : i32
        %dma_start3A_56 = arith.constant 0 : i32
        %dma_start3A_57 = tpu.memref_slice %arg9[%run_scoped3A, %dma_start3A_55, %dma_start3A_56] : memref<2x128x32xf32, #tpu.memory_space<vmem>> -> memref<1x128x32xf32, #tpu.memory_space<vmem>>
        %dma_start3A_58 = tpu.memref_squeeze %dma_start3A_57 : memref<1x128x32xf32, #tpu.memory_space<vmem>> -> memref<128x32xf32, #tpu.memory_space<vmem>>
        %dma_start3A_59 = arith.constant 0 : i32
        %dma_start3A_60 = tpu.memref_slice %arg8[%mul3A_24, %dma_start3A_59] : memref<79x128xi32, #tpu.memory_space<vmem>> -> memref<1x128xi32, #tpu.memory_space<vmem>>
        %dma_start3A_61 = tpu.memref_squeeze %dma_start3A_60 : memref<1x128xi32, #tpu.memory_space<vmem>> -> memref<128xi32, #tpu.memory_space<vmem>>
        %dma_start3A_62 = arith.constant 0 : i32
        %dma_start3A_63 = arith.constant 0 : i32
        %dma_start3A_64 = tpu.memref_slice %arg10[%dma_start3A_62, %dma_start3A_63] : memref<10240x32xf32, #tpu.memory_space<vmem_shared>> -> memref<10240x32xf32, #tpu.memory_space<vmem_shared>>
        tpu.enqueue_indirect_dma source(%dma_start3A_58 : memref<128x32xf32, #tpu.memory_space<vmem>>) target(%dma_start3A_64 : memref<10240x32xf32, #tpu.memory_space<vmem_shared>>) offsets(%dma_start3A_61 : memref<128xi32, #tpu.memory_space<vmem>>) semaphore(%run_scoped3A_54 : memref<!tpu.dma_semaphore, #tpu.memory_space<semaphore_mem>>) {add = true}
        %dma_wait3A_65 = arith.constant 0 : i32
        %dma_wait3A_66 = arith.constant 0 : i32
        %dma_wait3A_67 = tpu.memref_slice %arg9[%run_scoped3A, %dma_wait3A_65, %dma_wait3A_66] : memref<2x128x32xf32, #tpu.memory_space<vmem>> -> memref<1x128x32xf32, #tpu.memory_space<vmem>>
        %dma_wait3A_68 = tpu.memref_squeeze %dma_wait3A_67 : memref<1x128x32xf32, #tpu.memory_space<vmem>> -> memref<128x32xf32, #tpu.memory_space<vmem>>
        %dma_wait3A_69 = arith.constant 0 : i32
        %dma_wait3A_70 = tpu.memref_slice %arg8[%mul3A_24, %dma_wait3A_69] : memref<79x128xi32, #tpu.memory_space<vmem>> -> memref<1x128xi32, #tpu.memory_space<vmem>>
        %dma_wait3A_71 = tpu.memref_squeeze %dma_wait3A_70 : memref<1x128xi32, #tpu.memory_space<vmem>> -> memref<128xi32, #tpu.memory_space<vmem>>
        %dma_wait3A_72 = arith.constant 0 : i32
        %dma_wait3A_73 = arith.constant 0 : i32
        %dma_wait3A_74 = tpu.memref_slice %arg10[%dma_wait3A_72, %dma_wait3A_73] : memref<10240x32xf32, #tpu.memory_space<vmem_shared>> -> memref<10240x32xf32, #tpu.memory_space<vmem_shared>>
        tpu.wait_indirect_dma semaphore(%run_scoped3A_54 : memref<!tpu.dma_semaphore, #tpu.memory_space<semaphore_mem>>) src(%dma_wait3A_68 : memref<128x32xf32, #tpu.memory_space<vmem>>) dst(%dma_wait3A_74 : memref<10240x32xf32, #tpu.memory_space<vmem_shared>>)
        tpu.yield
      }) : () -> ()
      %add3A_39 = arith.constant 2 : i32
      %add3A_40 = arith.addi %mul3A_24, %add3A_39 : i32
      %lt3A_41 = arith.constant 79 : i32
      %lt3A_42 = arith.cmpi slt, %add3A_40, %lt3A_41 : i32
      %convert_element_type3A_43 = arith.extui %lt3A_42 : i1 to i32
      %cond3A_44 = arith.constant 0 : i32
      %cond3A_45 = arith.cmpi ne, %convert_element_type3A_43, %cond3A_44 : i32
      scf.if %cond3A_45 {
        %add3A_54 = arith.constant 2 : i32
        %add3A_55 = arith.addi %mul3A_24, %add3A_54 : i32
        %dma_start3A_56 = arith.constant 0 : i32
        %dma_start3A_57 = arith.constant 0 : i32
        %dma_start3A_58 = arith.constant 0 : i32
        %dma_start3A_59 = tpu.memref_slice %arg9[%dma_start3A_56, %dma_start3A_57, %dma_start3A_58] : memref<2x128x32xf32, #tpu.memory_space<vmem>> -> memref<1x128x32xf32, #tpu.memory_space<vmem>>
        %dma_start3A_60 = tpu.memref_squeeze %dma_start3A_59 : memref<1x128x32xf32, #tpu.memory_space<vmem>> -> memref<128x32xf32, #tpu.memory_space<vmem>>
        %dma_start3A_61 = arith.constant 0 : i32
        %dma_start3A_62 = tpu.memref_slice %arg7[%add3A_55, %dma_start3A_61] : memref<79x128xi32, #tpu.memory_space<vmem>> -> memref<1x128xi32, #tpu.memory_space<vmem>>
        %dma_start3A_63 = tpu.memref_squeeze %dma_start3A_62 : memref<1x128xi32, #tpu.memory_space<vmem>> -> memref<128xi32, #tpu.memory_space<vmem>>
        %dma_start3A_64 = arith.constant 0 : i32
        %dma_start3A_65 = arith.constant 0 : i32
        %dma_start3A_66 = tpu.memref_slice %arg2[%dma_start3A_64, %dma_start3A_65] : memref<10240x32xf32, #tpu.memory_space<hbm>> -> memref<10240x32xf32, #tpu.memory_space<hbm>>
        tpu.enqueue_indirect_dma source(%dma_start3A_66 : memref<10240x32xf32, #tpu.memory_space<hbm>>) target(%dma_start3A_60 : memref<128x32xf32, #tpu.memory_space<vmem>>) offsets(%dma_start3A_63 : memref<128xi32, #tpu.memory_space<vmem>>) semaphore(%arg11 : memref<!tpu.dma_semaphore, #tpu.memory_space<semaphore_mem>>)
      } else {
      }
      %add3A_46 = arith.constant 1 : i32
      %add3A_47 = arith.addi %mul3A_24, %add3A_46 : i32
      %lt3A_48 = arith.constant 79 : i32
      %lt3A_49 = arith.cmpi slt, %add3A_47, %lt3A_48 : i32
      %convert_element_type3A_50 = arith.extui %lt3A_49 : i1 to i32
      %cond3A_51 = arith.constant 0 : i32
      %cond3A_52 = arith.cmpi ne, %convert_element_type3A_50, %cond3A_51 : i32
      scf.if %cond3A_52 {
        %add3A_54 = arith.constant 1 : i32
        %add3A_55 = arith.addi %mul3A_24, %add3A_54 : i32
        %dma_wait3A_56 = arith.constant 1 : i32
        %dma_wait3A_57 = arith.constant 0 : i32
        %dma_wait3A_58 = arith.constant 0 : i32
        %dma_wait3A_59 = tpu.memref_slice %arg9[%dma_wait3A_56, %dma_wait3A_57, %dma_wait3A_58] : memref<2x128x32xf32, #tpu.memory_space<vmem>> -> memref<1x128x32xf32, #tpu.memory_space<vmem>>
        %dma_wait3A_60 = tpu.memref_squeeze %dma_wait3A_59 : memref<1x128x32xf32, #tpu.memory_space<vmem>> -> memref<128x32xf32, #tpu.memory_space<vmem>>
        %dma_wait3A_61 = arith.constant 0 : i32
        %dma_wait3A_62 = tpu.memref_slice %arg7[%add3A_55, %dma_wait3A_61] : memref<79x128xi32, #tpu.memory_space<vmem>> -> memref<1x128xi32, #tpu.memory_space<vmem>>
        %dma_wait3A_63 = tpu.memref_squeeze %dma_wait3A_62 : memref<1x128xi32, #tpu.memory_space<vmem>> -> memref<128xi32, #tpu.memory_space<vmem>>
        %dma_wait3A_64 = arith.constant 0 : i32
        %dma_wait3A_65 = arith.constant 0 : i32
        %dma_wait3A_66 = tpu.memref_slice %arg2[%dma_wait3A_64, %dma_wait3A_65] : memref<10240x32xf32, #tpu.memory_space<hbm>> -> memref<10240x32xf32, #tpu.memory_space<hbm>>
        tpu.wait_indirect_dma semaphore(%arg12 : memref<!tpu.dma_semaphore, #tpu.memory_space<semaphore_mem>>) src(%dma_wait3A_66 : memref<10240x32xf32, #tpu.memory_space<hbm>>) dst(%dma_wait3A_60 : memref<128x32xf32, #tpu.memory_space<vmem>>)
        %add3A_67 = arith.constant 1 : i32
        %add3A_68 = arith.addi %mul3A_24, %add3A_67 : i32
        %run_scoped3A_69 = arith.constant 1 : i32
        "tpu.region"() ({
          %run_scoped3A_70 = tpu.sem_alloc : memref<!tpu.dma_semaphore, #tpu.memory_space<semaphore_mem>>
          %dma_start3A_71 = arith.constant 0 : i32
          %dma_start3A_72 = arith.constant 0 : i32
          %dma_start3A_73 = tpu.memref_slice %arg9[%run_scoped3A_69, %dma_start3A_71, %dma_start3A_72] : memref<2x128x32xf32, #tpu.memory_space<vmem>> -> memref<1x128x32xf32, #tpu.memory_space<vmem>>
          %dma_start3A_74 = tpu.memref_squeeze %dma_start3A_73 : memref<1x128x32xf32, #tpu.memory_space<vmem>> -> memref<128x32xf32, #tpu.memory_space<vmem>>
          %dma_start3A_75 = arith.constant 0 : i32
          %dma_start3A_76 = tpu.memref_slice %arg8[%add3A_68, %dma_start3A_75] : memref<79x128xi32, #tpu.memory_space<vmem>> -> memref<1x128xi32, #tpu.memory_space<vmem>>
          %dma_start3A_77 = tpu.memref_squeeze %dma_start3A_76 : memref<1x128xi32, #tpu.memory_space<vmem>> -> memref<128xi32, #tpu.memory_space<vmem>>
          %dma_start3A_78 = arith.constant 0 : i32
          %dma_start3A_79 = arith.constant 0 : i32
          %dma_start3A_80 = tpu.memref_slice %arg10[%dma_start3A_78, %dma_start3A_79] : memref<10240x32xf32, #tpu.memory_space<vmem_shared>> -> memref<10240x32xf32, #tpu.memory_space<vmem_shared>>
          tpu.enqueue_indirect_dma source(%dma_start3A_74 : memref<128x32xf32, #tpu.memory_space<vmem>>) target(%dma_start3A_80 : memref<10240x32xf32, #tpu.memory_space<vmem_shared>>) offsets(%dma_start3A_77 : memref<128xi32, #tpu.memory_space<vmem>>) semaphore(%run_scoped3A_70 : memref<!tpu.dma_semaphore, #tpu.memory_space<semaphore_mem>>) {add = true}
          %dma_wait3A_81 = arith.constant 0 : i32
          %dma_wait3A_82 = arith.constant 0 : i32
          %dma_wait3A_83 = tpu.memref_slice %arg9[%run_scoped3A_69, %dma_wait3A_81, %dma_wait3A_82] : memref<2x128x32xf32, #tpu.memory_space<vmem>> -> memref<1x128x32xf32, #tpu.memory_space<vmem>>
          %dma_wait3A_84 = tpu.memref_squeeze %dma_wait3A_83 : memref<1x128x32xf32, #tpu.memory_space<vmem>> -> memref<128x32xf32, #tpu.memory_space<vmem>>
          %dma_wait3A_85 = arith.constant 0 : i32
          %dma_wait3A_86 = tpu.memref_slice %arg8[%add3A_68, %dma_wait3A_85] : memref<79x128xi32, #tpu.memory_space<vmem>> -> memref<1x128xi32, #tpu.memory_space<vmem>>
          %dma_wait3A_87 = tpu.memref_squeeze %dma_wait3A_86 : memref<1x128xi32, #tpu.memory_space<vmem>> -> memref<128xi32, #tpu.memory_space<vmem>>
          %dma_wait3A_88 = arith.constant 0 : i32
          %dma_wait3A_89 = arith.constant 0 : i32
          %dma_wait3A_90 = tpu.memref_slice %arg10[%dma_wait3A_88, %dma_wait3A_89] : memref<10240x32xf32, #tpu.memory_space<vmem_shared>> -> memref<10240x32xf32, #tpu.memory_space<vmem_shared>>
          tpu.wait_indirect_dma semaphore(%run_scoped3A_70 : memref<!tpu.dma_semaphore, #tpu.memory_space<semaphore_mem>>) src(%dma_wait3A_84 : memref<128x32xf32, #tpu.memory_space<vmem>>) dst(%dma_wait3A_90 : memref<10240x32xf32, #tpu.memory_space<vmem_shared>>)
          tpu.yield
        }) : () -> ()
      } else {
      }
      %scan3A_53 = arith.constant 0 : i32
      scf.yield %scan3A_53 : i32
    }
    %scan3A_19 = arith.constant 40 : i32
    %barrier3A_20 = arith.constant 0 : index
    tpu.barrier barrier_id(%barrier3A_20)
    "tpu.region"() ({
      %run_scoped3A = tpu.sem_alloc : memref<!tpu.dma_semaphore, #tpu.memory_space<semaphore_mem>>
      %dma_start3A_21 = arith.constant 0 : i32
      %dma_start3A_22 = tpu.memref_slice %arg6[%arg0, %mul3A_2, %dma_start3A_21] : memref<2x10240x32xf32, #tpu.memory_space<hbm>> -> memref<1x640x32xf32, #tpu.memory_space<hbm>>
      %dma_start3A_23 = tpu.memref_squeeze %dma_start3A_22 : memref<1x640x32xf32, #tpu.memory_space<hbm>> -> memref<640x32xf32, #tpu.memory_space<hbm>>
      %dma_start3A_24 = arith.constant 0 : i32
      %dma_start3A_25 = tpu.memref_slice %arg10[%mul3A_2, %dma_start3A_24] : memref<10240x32xf32, #tpu.memory_space<vmem_shared>> -> memref<640x32xf32, #tpu.memory_space<vmem_shared>>
      tpu.enqueue_dma source(%dma_start3A_25 : memref<640x32xf32, #tpu.memory_space<vmem_shared>>) target(%dma_start3A_23 : memref<640x32xf32, #tpu.memory_space<hbm>>) target_semaphore(%run_scoped3A : memref<!tpu.dma_semaphore, #tpu.memory_space<semaphore_mem>>)
      %dma_wait3A = arith.constant 0 : i32
      %dma_wait3A_26 = tpu.memref_slice %arg6[%arg0, %mul3A_2, %dma_wait3A] : memref<2x10240x32xf32, #tpu.memory_space<hbm>> -> memref<1x640x32xf32, #tpu.memory_space<hbm>>
      %dma_wait3A_27 = tpu.memref_squeeze %dma_wait3A_26 : memref<1x640x32xf32, #tpu.memory_space<hbm>> -> memref<640x32xf32, #tpu.memory_space<hbm>>
      %dma_wait3A_28 = arith.constant 0 : i32
      %dma_wait3A_29 = tpu.memref_slice %arg10[%mul3A_2, %dma_wait3A_28] : memref<10240x32xf32, #tpu.memory_space<vmem_shared>> -> memref<640x32xf32, #tpu.memory_space<vmem_shared>>
      tpu.wait_dma2 semaphore(%run_scoped3A : memref<!tpu.dma_semaphore, #tpu.memory_space<semaphore_mem>>) src(%dma_wait3A_29 : memref<640x32xf32, #tpu.memory_space<vmem_shared>>) dst(%dma_wait3A_27 : memref<640x32xf32, #tpu.memory_space<hbm>>)
      tpu.yield
    }) : () -> ()
    return
  }
}

module attributes {stable_mosaic.version = 14 : i64} {
  func.func @body(%arg0: i32, %arg1: memref<1024x128xf32, #tpu.memory_space<vmem>>, %arg2: memref<1024x64xf32, #tpu.memory_space<vmem>>, %arg3: memref<1024x64xf32, #tpu.memory_space<vmem>>, %arg4: memref<1x32xf32, #tpu.memory_space<vmem>>, %arg5: memref<128x32xf32, #tpu.memory_space<vmem>>, %arg6: memref<1x32xf32, #tpu.memory_space<vmem>>, %arg7: memref<32x32xf32, #tpu.memory_space<vmem>>, %arg8: memref<1024x32xf32, #tpu.memory_space<vmem>>) attributes {dimension_semantics = [#tpu.dimension_semantics<arbitrary>], iteration_bounds = array<i64: 10>, scalar_prefetch = 0 : i64, scratch_operands = 0 : i64, tpu.core_type = #tpu.core_type<tc>, window_params = [{transform_indices = @transform_0, window_bounds = array<i64: 1024, 128>}, {transform_indices = @transform_1, window_bounds = array<i64: 1024, 64>}, {transform_indices = @transform_2, window_bounds = array<i64: 1024, 64>}, {pipeline_mode = #tpu.pipeline_mode<synchronous>, transform_indices = @transform_3, window_bounds = array<i64: 1, 32>}, {pipeline_mode = #tpu.pipeline_mode<synchronous>, transform_indices = @transform_4, window_bounds = array<i64: 128, 32>}, {pipeline_mode = #tpu.pipeline_mode<synchronous>, transform_indices = @transform_5, window_bounds = array<i64: 1, 32>}, {pipeline_mode = #tpu.pipeline_mode<synchronous>, transform_indices = @transform_6, window_bounds = array<i64: 32, 32>}, {transform_indices = @transform_7, window_bounds = array<i64: 1024, 32>}]} {
    %get3A = arith.constant 0 : index
    %get3A_0 = arith.constant 0 : index
    %get3A_1 = vector.load %arg1[%get3A, %get3A_0] : memref<1024x128xf32, #tpu.memory_space<vmem>>, vector<1024x128xf32>
    %get3A_2 = arith.constant 0 : index
    %get3A_3 = arith.constant 0 : index
    %get3A_4 = vector.load %arg2[%get3A_2, %get3A_3] : memref<1024x64xf32, #tpu.memory_space<vmem>>, vector<1024x64xf32>
    %get3A_5 = arith.constant 0 : index
    %get3A_6 = arith.constant 0 : index
    %get3A_7 = vector.load %arg3[%get3A_5, %get3A_6] : memref<1024x64xf32, #tpu.memory_space<vmem>>, vector<1024x64xf32>
    %concatenate3A = tpu.concatenate %get3A_4, %get3A_7 in 1 : vector<1024x64xf32>, vector<1024x64xf32> -> vector<1024x128xf32>
    %add3A = arith.addf %get3A_1, %concatenate3A : vector<1024x128xf32>
    %get3A_8 = arith.constant 0 : index
    %get3A_9 = arith.constant 0 : index
    %get3A_10 = vector.load %arg5[%get3A_8, %get3A_9] : memref<128x32xf32, #tpu.memory_space<vmem>>, vector<128x32xf32>
    %dot_general3A = arith.constant dense<0.000000e+00> : vector<1024x32xf32>
    %dot_general3A_11 = tpu.matmul %add3A, %get3A_10, %dot_general3A {dimension_numbers = #tpu.dot_dimension_numbers<[1], [0], [0], [1], [0, 0, 1, 1], [], []>, transpose_lhs_hint = false} : vector<1024x128xf32>, vector<128x32xf32>, vector<1024x32xf32> -> vector<1024x32xf32>
    %get3A_12 = arith.constant 0 : index
    %get3A_13 = arith.constant 0 : index
    %get3A_14 = vector.load %arg4[%get3A_12, %get3A_13] : memref<1x32xf32, #tpu.memory_space<vmem>>, vector<1x32xf32>
    %add3A_15 = vector.broadcast %get3A_14 : vector<1x32xf32> to vector<1024x32xf32>
    %add3A_16 = arith.addf %dot_general3A_11, %add3A_15 : vector<1024x32xf32>
    %max3A = arith.constant 0.000000e+00 : f32
    %max3A_17 = vector.broadcast %max3A : f32 to vector<1024x32xf32>
    %max3A_18 = arith.maximumf %add3A_16, %max3A_17 : vector<1024x32xf32>
    %get3A_19 = arith.constant 0 : index
    %get3A_20 = arith.constant 0 : index
    %get3A_21 = vector.load %arg7[%get3A_19, %get3A_20] : memref<32x32xf32, #tpu.memory_space<vmem>>, vector<32x32xf32>
    %dot_general3A_22 = arith.constant dense<0.000000e+00> : vector<1024x32xf32>
    %dot_general3A_23 = tpu.matmul %max3A_18, %get3A_21, %dot_general3A_22 {dimension_numbers = #tpu.dot_dimension_numbers<[1], [0], [0], [1], [0, 0, 1, 1], [], []>, transpose_lhs_hint = false} : vector<1024x32xf32>, vector<32x32xf32>, vector<1024x32xf32> -> vector<1024x32xf32>
    %get3A_24 = arith.constant 0 : index
    %get3A_25 = arith.constant 0 : index
    %get3A_26 = vector.load %arg6[%get3A_24, %get3A_25] : memref<1x32xf32, #tpu.memory_space<vmem>>, vector<1x32xf32>
    %add3A_27 = vector.broadcast %get3A_26 : vector<1x32xf32> to vector<1024x32xf32>
    %add3A_28 = arith.addf %dot_general3A_23, %add3A_27 : vector<1024x32xf32>
    %swap3A = arith.constant 0 : index
    %swap3A_29 = arith.constant 0 : index
    %swap3A_30 = vector.load %arg8[%swap3A, %swap3A_29] : memref<1024x32xf32, #tpu.memory_space<vmem>>, vector<1024x32xf32>
    tpu.vector_store %arg8[%swap3A, %swap3A_29], %add3A_28 {strides = array<i32>} : memref<1024x32xf32, #tpu.memory_space<vmem>>, vector<1024x32xf32>,
    return
  }
  func.func @transform_0(%arg0: i32) -> (i32, i32) {
    %c0_i32 = arith.constant 0 : i32
    %c0_i32_0 = arith.constant 0 : i32
    return %arg0, %c0_i32 : i32, i32
  }
  func.func @transform_1(%arg0: i32) -> (i32, i32) {
    %c0_i32 = arith.constant 0 : i32
    %c0_i32_0 = arith.constant 0 : i32
    return %arg0, %c0_i32 : i32, i32
  }
  func.func @transform_2(%arg0: i32) -> (i32, i32) {
    %c0_i32 = arith.constant 0 : i32
    %c0_i32_0 = arith.constant 0 : i32
    return %arg0, %c0_i32 : i32, i32
  }
  func.func @transform_3(%arg0: i32) -> (i32, i32) {
    %c0_i32 = arith.constant 0 : i32
    %c0_i32_0 = arith.constant 0 : i32
    %c0_i32_1 = arith.constant 0 : i32
    return %c0_i32, %c0_i32_0 : i32, i32
  }
  func.func @transform_4(%arg0: i32) -> (i32, i32) {
    %c0_i32 = arith.constant 0 : i32
    %c0_i32_0 = arith.constant 0 : i32
    %c0_i32_1 = arith.constant 0 : i32
    return %c0_i32, %c0_i32_0 : i32, i32
  }
  func.func @transform_5(%arg0: i32) -> (i32, i32) {
    %c0_i32 = arith.constant 0 : i32
    %c0_i32_0 = arith.constant 0 : i32
    %c0_i32_1 = arith.constant 0 : i32
    return %c0_i32, %c0_i32_0 : i32, i32
  }
  func.func @transform_6(%arg0: i32) -> (i32, i32) {
    %c0_i32 = arith.constant 0 : i32
    %c0_i32_0 = arith.constant 0 : i32
    %c0_i32_1 = arith.constant 0 : i32
    return %c0_i32, %c0_i32_0 : i32, i32
  }
  func.func @transform_7(%arg0: i32) -> (i32, i32) {
    %c0_i32 = arith.constant 0 : i32
    %c0_i32_0 = arith.constant 0 : i32
    return %arg0, %c0_i32 : i32, i32
  }
}

module attributes {stable_mosaic.version = 14 : i64} {
  func.func @body(%arg0: i32, %arg1: memref<1024x32xf32, #tpu.memory_space<vmem>>, %arg2: memref<1024x32xf32, #tpu.memory_space<vmem>>, %arg3: memref<1024x32xf32, #tpu.memory_space<vmem>>, %arg4: memref<1x32xf32, #tpu.memory_space<vmem>>, %arg5: memref<32x32xf32, #tpu.memory_space<vmem>>, %arg6: memref<1x32xf32, #tpu.memory_space<vmem>>, %arg7: memref<32x32xf32, #tpu.memory_space<vmem>>, %arg8: memref<1024x32xf32, #tpu.memory_space<vmem>>) attributes {dimension_semantics = [#tpu.dimension_semantics<arbitrary>], iteration_bounds = array<i64: 10>, scalar_prefetch = 0 : i64, scratch_operands = 0 : i64, tpu.core_type = #tpu.core_type<tc>, window_params = [{transform_indices = @transform_0, window_bounds = array<i64: 1024, 32>}, {transform_indices = @transform_1, window_bounds = array<i64: 1024, 32>}, {transform_indices = @transform_2, window_bounds = array<i64: 1024, 32>}, {pipeline_mode = #tpu.pipeline_mode<synchronous>, transform_indices = @transform_3, window_bounds = array<i64: 1, 32>}, {pipeline_mode = #tpu.pipeline_mode<synchronous>, transform_indices = @transform_4, window_bounds = array<i64: 32, 32>}, {pipeline_mode = #tpu.pipeline_mode<synchronous>, transform_indices = @transform_5, window_bounds = array<i64: 1, 32>}, {pipeline_mode = #tpu.pipeline_mode<synchronous>, transform_indices = @transform_6, window_bounds = array<i64: 32, 32>}, {transform_indices = @transform_7, window_bounds = array<i64: 1024, 32>}]} {
    %get3A = arith.constant 0 : index
    %get3A_0 = arith.constant 0 : index
    %get3A_1 = vector.load %arg1[%get3A, %get3A_0] : memref<1024x32xf32, #tpu.memory_space<vmem>>, vector<1024x32xf32>
    %get3A_2 = arith.constant 0 : index
    %get3A_3 = arith.constant 0 : index
    %get3A_4 = vector.load %arg2[%get3A_2, %get3A_3] : memref<1024x32xf32, #tpu.memory_space<vmem>>, vector<1024x32xf32>
    %add3A = arith.addf %get3A_1, %get3A_4 : vector<1024x32xf32>
    %get3A_5 = arith.constant 0 : index
    %get3A_6 = arith.constant 0 : index
    %get3A_7 = vector.load %arg3[%get3A_5, %get3A_6] : memref<1024x32xf32, #tpu.memory_space<vmem>>, vector<1024x32xf32>
    %add3A_8 = arith.addf %add3A, %get3A_7 : vector<1024x32xf32>
    %get3A_9 = arith.constant 0 : index
    %get3A_10 = arith.constant 0 : index
    %get3A_11 = vector.load %arg5[%get3A_9, %get3A_10] : memref<32x32xf32, #tpu.memory_space<vmem>>, vector<32x32xf32>
    %dot_general3A = arith.constant dense<0.000000e+00> : vector<1024x32xf32>
    %dot_general3A_12 = tpu.matmul %add3A_8, %get3A_11, %dot_general3A {dimension_numbers = #tpu.dot_dimension_numbers<[1], [0], [0], [1], [0, 0, 1, 1], [], []>, transpose_lhs_hint = false} : vector<1024x32xf32>, vector<32x32xf32>, vector<1024x32xf32> -> vector<1024x32xf32>
    %get3A_13 = arith.constant 0 : index
    %get3A_14 = arith.constant 0 : index
    %get3A_15 = vector.load %arg4[%get3A_13, %get3A_14] : memref<1x32xf32, #tpu.memory_space<vmem>>, vector<1x32xf32>
    %add3A_16 = vector.broadcast %get3A_15 : vector<1x32xf32> to vector<1024x32xf32>
    %add3A_17 = arith.addf %dot_general3A_12, %add3A_16 : vector<1024x32xf32>
    %max3A = arith.constant 0.000000e+00 : f32
    %max3A_18 = vector.broadcast %max3A : f32 to vector<1024x32xf32>
    %max3A_19 = arith.maximumf %add3A_17, %max3A_18 : vector<1024x32xf32>
    %get3A_20 = arith.constant 0 : index
    %get3A_21 = arith.constant 0 : index
    %get3A_22 = vector.load %arg7[%get3A_20, %get3A_21] : memref<32x32xf32, #tpu.memory_space<vmem>>, vector<32x32xf32>
    %dot_general3A_23 = arith.constant dense<0.000000e+00> : vector<1024x32xf32>
    %dot_general3A_24 = tpu.matmul %max3A_19, %get3A_22, %dot_general3A_23 {dimension_numbers = #tpu.dot_dimension_numbers<[1], [0], [0], [1], [0, 0, 1, 1], [], []>, transpose_lhs_hint = false} : vector<1024x32xf32>, vector<32x32xf32>, vector<1024x32xf32> -> vector<1024x32xf32>
    %get3A_25 = arith.constant 0 : index
    %get3A_26 = arith.constant 0 : index
    %get3A_27 = vector.load %arg6[%get3A_25, %get3A_26] : memref<1x32xf32, #tpu.memory_space<vmem>>, vector<1x32xf32>
    %add3A_28 = vector.broadcast %get3A_27 : vector<1x32xf32> to vector<1024x32xf32>
    %add3A_29 = arith.addf %dot_general3A_24, %add3A_28 : vector<1024x32xf32>
    %swap3A = arith.constant 0 : index
    %swap3A_30 = arith.constant 0 : index
    %swap3A_31 = vector.load %arg8[%swap3A, %swap3A_30] : memref<1024x32xf32, #tpu.memory_space<vmem>>, vector<1024x32xf32>
    tpu.vector_store %arg8[%swap3A, %swap3A_30], %add3A_29 {strides = array<i32>} : memref<1024x32xf32, #tpu.memory_space<vmem>>, vector<1024x32xf32>,
    return
  }
  func.func @transform_0(%arg0: i32) -> (i32, i32) {
    %c0_i32 = arith.constant 0 : i32
    %c0_i32_0 = arith.constant 0 : i32
    return %arg0, %c0_i32 : i32, i32
  }
  func.func @transform_1(%arg0: i32) -> (i32, i32) {
    %c0_i32 = arith.constant 0 : i32
    %c0_i32_0 = arith.constant 0 : i32
    return %arg0, %c0_i32 : i32, i32
  }
  func.func @transform_2(%arg0: i32) -> (i32, i32) {
    %c0_i32 = arith.constant 0 : i32
    %c0_i32_0 = arith.constant 0 : i32
    return %arg0, %c0_i32 : i32, i32
  }
  func.func @transform_3(%arg0: i32) -> (i32, i32) {
    %c0_i32 = arith.constant 0 : i32
    %c0_i32_0 = arith.constant 0 : i32
    %c0_i32_1 = arith.constant 0 : i32
    return %c0_i32, %c0_i32_0 : i32, i32
  }
  func.func @transform_4(%arg0: i32) -> (i32, i32) {
    %c0_i32 = arith.constant 0 : i32
    %c0_i32_0 = arith.constant 0 : i32
    %c0_i32_1 = arith.constant 0 : i32
    return %c0_i32, %c0_i32_0 : i32, i32
  }
  func.func @transform_5(%arg0: i32) -> (i32, i32) {
    %c0_i32 = arith.constant 0 : i32
    %c0_i32_0 = arith.constant 0 : i32
    %c0_i32_1 = arith.constant 0 : i32
    return %c0_i32, %c0_i32_0 : i32, i32
  }
  func.func @transform_6(%arg0: i32) -> (i32, i32) {
    %c0_i32 = arith.constant 0 : i32
    %c0_i32_0 = arith.constant 0 : i32
    %c0_i32_1 = arith.constant 0 : i32
    return %c0_i32, %c0_i32_0 : i32, i32
  }
  func.func @transform_7(%arg0: i32) -> (i32, i32) {
    %c0_i32 = arith.constant 0 : i32
    %c0_i32_0 = arith.constant 0 : i32
    return %arg0, %c0_i32 : i32, i32
  }
}

module attributes {stable_mosaic.version = 14 : i64} {
  func.func @body(%arg0: i32, %arg1: memref<1024x32xf32, #tpu.memory_space<vmem>>, %arg2: memref<1024x32xf32, #tpu.memory_space<vmem>>, %arg3: memref<1024x32xf32, #tpu.memory_space<vmem>>, %arg4: memref<32x1xf32, #tpu.memory_space<vmem>>, %arg5: memref<1x1xf32, #tpu.memory_space<vmem>>, %arg6: memref<1024x1xf32, #tpu.memory_space<vmem>>) attributes {dimension_semantics = [#tpu.dimension_semantics<arbitrary>], iteration_bounds = array<i64: 10>, scalar_prefetch = 0 : i64, scratch_operands = 0 : i64, tpu.core_type = #tpu.core_type<tc>, window_params = [{transform_indices = @transform_0, window_bounds = array<i64: 1024, 32>}, {transform_indices = @transform_1, window_bounds = array<i64: 1024, 32>}, {transform_indices = @transform_2, window_bounds = array<i64: 1024, 32>}, {pipeline_mode = #tpu.pipeline_mode<synchronous>, transform_indices = @transform_3, window_bounds = array<i64: 32, 1>}, {pipeline_mode = #tpu.pipeline_mode<synchronous>, transform_indices = @transform_4, window_bounds = array<i64: 1, 1>}, {transform_indices = @transform_5, window_bounds = array<i64: 1024, 1>}]} {
    %get3A = arith.constant 0 : index
    %get3A_0 = arith.constant 0 : index
    %get3A_1 = vector.load %arg1[%get3A, %get3A_0] : memref<1024x32xf32, #tpu.memory_space<vmem>>, vector<1024x32xf32>
    %get3A_2 = arith.constant 0 : index
    %get3A_3 = arith.constant 0 : index
    %get3A_4 = vector.load %arg2[%get3A_2, %get3A_3] : memref<1024x32xf32, #tpu.memory_space<vmem>>, vector<1024x32xf32>
    %add3A = arith.addf %get3A_1, %get3A_4 : vector<1024x32xf32>
    %get3A_5 = arith.constant 0 : index
    %get3A_6 = arith.constant 0 : index
    %get3A_7 = vector.load %arg3[%get3A_5, %get3A_6] : memref<1024x32xf32, #tpu.memory_space<vmem>>, vector<1024x32xf32>
    %add3A_8 = arith.addf %add3A, %get3A_7 : vector<1024x32xf32>
    %get3A_9 = arith.constant 0 : index
    %get3A_10 = arith.constant 0 : index
    %get3A_11 = vector.load %arg4[%get3A_9, %get3A_10] : memref<32x1xf32, #tpu.memory_space<vmem>>, vector<32x1xf32>
    %dot_general3A = arith.constant dense<0.000000e+00> : vector<1024x1xf32>
    %dot_general3A_12 = tpu.matmul %add3A_8, %get3A_11, %dot_general3A {dimension_numbers = #tpu.dot_dimension_numbers<[1], [0], [0], [1], [0, 0, 1, 1], [], []>, transpose_lhs_hint = false} : vector<1024x32xf32>, vector<32x1xf32>, vector<1024x1xf32> -> vector<1024x1xf32>
    %get3A_13 = arith.constant 0 : index
    %get3A_14 = arith.constant 0 : index
    %get3A_15 = vector.load %arg5[%get3A_13, %get3A_14] : memref<1x1xf32, #tpu.memory_space<vmem>>, vector<1x1xf32>
    %add3A_16 = vector.broadcast %get3A_15 : vector<1x1xf32> to vector<1024x1xf32>
    %add3A_17 = arith.addf %dot_general3A_12, %add3A_16 : vector<1024x1xf32>
    %swap3A = arith.constant 0 : index
    %swap3A_18 = arith.constant 0 : index
    %swap3A_19 = vector.load %arg6[%swap3A, %swap3A_18] : memref<1024x1xf32, #tpu.memory_space<vmem>>, vector<1024x1xf32>
    tpu.vector_store %arg6[%swap3A, %swap3A_18], %add3A_17 {strides = array<i32>} : memref<1024x1xf32, #tpu.memory_space<vmem>>, vector<1024x1xf32>,
    return
  }
  func.func @transform_0(%arg0: i32) -> (i32, i32) {
    %c0_i32 = arith.constant 0 : i32
    %c0_i32_0 = arith.constant 0 : i32
    return %arg0, %c0_i32 : i32, i32
  }
  func.func @transform_1(%arg0: i32) -> (i32, i32) {
    %c0_i32 = arith.constant 0 : i32
    %c0_i32_0 = arith.constant 0 : i32
    return %arg0, %c0_i32 : i32, i32
  }
  func.func @transform_2(%arg0: i32) -> (i32, i32) {
    %c0_i32 = arith.constant 0 : i32
    %c0_i32_0 = arith.constant 0 : i32
    return %arg0, %c0_i32 : i32, i32
  }
  func.func @transform_3(%arg0: i32) -> (i32, i32) {
    %c0_i32 = arith.constant 0 : i32
    %c0_i32_0 = arith.constant 0 : i32
    %c0_i32_1 = arith.constant 0 : i32
    return %c0_i32, %c0_i32_0 : i32, i32
  }
  func.func @transform_4(%arg0: i32) -> (i32, i32) {
    %c0_i32 = arith.constant 0 : i32
    %c0_i32_0 = arith.constant 0 : i32
    %c0_i32_1 = arith.constant 0 : i32
    return %c0_i32, %c0_i32_0 : i32, i32
  }
  func.func @transform_5(%arg0: i32) -> (i32, i32) {
    %c0_i32 = arith.constant 0 : i32
    %c0_i32_0 = arith.constant 0 : i32
    return %arg0, %c0_i32 : i32, i32
  }
}

</mosaic_0001>

<sc_bundles>
// kernel: kernel.11.cloned.1.call-start
scs
__scs_entry_jumppad:
0x0: {  	(pc) =	sbr.rel $0x88, $3  }
0x1: {  	(tag) =	ssettag $0x0;
	lr =	simm.s32 $0x1  }
0x2: {  	[smem:$0x3F95] =	sst lr;
	_ =	strace $0xD0000000  }
0x3: {  	_ = 	snop  }
0x4: {  	_ = 	snop  }
0x5: {  	_ = 	snop  }
0x6: {  	_ = 	snop  }
0x7: {  	_ = 	snop  }
__scs_overlays_trampoline_lowered:
0x8: {  	[smem:$0x3FA4] =	sst s0  }
0x9: {  	[smem:$0x3FA5] =	sst s1  }
0xa: {  	[smem:$0x3FA6] =	sst s2  }
0xb: {  	[smem:$0x3FA7] =	sst s3  }
0xc: {  	[smem:$0x3FA8] =	sst s4  }
0xd: {  	[smem:$0x3FA9] =	sst s5  }
0xe: {  	[smem:$0x3FAA] =	sst s6  }
0xf: {  	[smem:$0x3FAB] =	sst s7  }
0x10: {  	[smem:$0x3FAC] =	sst s8  }
0x11: {  	[smem:$0x3FAD] =	sst s9;
	s0 =	simm.s32 @!p0 $0x0  }
0x12: {  	s1 =	sld [smem:$0x3F93];
	s0 =	simm.s32 @p0 $0x1  }
0x13: {  	[smem:$0x3FAE] =	sst s0;
	s0 =	simm.s32 @!p1 $0x0  }
0x14: {  	s2 =	sld [smem:$0x3F92];
	s0 =	simm.s32 @p1 $0x1  }
0x15: {  	[smem:$0x3FAF] =	sst s0;
	s0 =	simm.s32 @!p2 $0x0  }
0x16: {  	s3 =	sld [smem:$0x3FDB];
	s0 =	simm.s32 @p2 $0x1  }
0x17: {  	s4 =	simm.s32 $0x1BF5;
	[smem:$0x3FB1] =	sst s0  }
0x18: {  	s0 =	sld [smem:$0x3F94];
	_ =	swait.ge [sflag:s4], $0x0  }
0x19: {  	s7 =	sld [smem:$0x3F95]  }
0x1a: {  	s8 =	sadd.s32 $0xFFFFE003, lr  }
0x1b: {  	s9 =	sadd.s32 $0xFFFFFEF7, lr;
	s5 =	simm.s32 $0xFFFFFFFF;
	p2 =	slt.u32 s8, $0xFFFFF086  }
0x1c: {  	p1 =	slt.u32 s9, $0xF7A;
	s5 =	simm.s32 @!p2 $0x0  }
0x1d: {  	s5 =	simm.s32 @p1 $0x1;
	p0 =	seq.s32 s7, s2  }
0x1e: {  	s7 =	smul.u32 @!p0 $0xF7A, s2;
	p2 =	seq.s32 @!p0 s5, $0x0  }
0x1f: {  	s9 =	smul.u32 $0xF7A, s1;
	s8 =	simm.s32 @!p0 $0x1BF5;
	p2 =	por !p2, p0  }
0x20: {  	[sflag:s8] =	ssyncset.s32 @!p0 $0xFFFFF086;
	s6 =	sadd.s32 @!p0 s3, s7;
	s7 =	simm.s32 @!p0 $0x108  }
0x21: {  	s3 =	sadd.s32 s3, s9;
	s6 =	sadd.s32 @!p0 $0x88, s6;
	s7 =	simm.s32 @p2 $0x1082  }
0x22: {  	[simem:s7], [sflag:s8] =	dma.local @!p0 [hbm:s6], $0xF7A  }
0x23: {  	s9 =	sor.u32 $0xD0000000, s2;
	s6 =	simm.s32 $0x108;
	_ =	swait.ge @!p0 [sflag:s8], $0x0  }
0x24: {  	s3 =	sadd.s32 $0x88, s3;
	s6 =	simm.s32 @!p1 $0x1082;
	[sflag:s4] =	ssyncset.s32 $0xFFFFF086  }
0x25: {  	[simem:s6], [sflag:s4] =	dma.local [hbm:s3], $0xF7A  }
0x26: {  	[smem:$0x3F95] =	sst s1;
	(tag) =	ssettag s2;
	_ =	strace s9  }
0x27: {  	s1 =	sld [smem:$0x3FA5]  }
0x28: {  	s2 =	sld [smem:$0x3FA6]  }
0x29: {  	s4 =	sld [smem:$0x3FA8]  }
0x2a: {  	p0 =	seq.s32 s5, $0x0;
	s5 =	sld [smem:$0x3FA9]  }
0x2b: {  	s6 =	sld [smem:$0x3FAA]  }
0x2c: {  	s7 =	sld [smem:$0x3FAB]  }
0x2d: {  	s3 =	simm.s32 $0x108;
	s8 =	sld [smem:$0x3FAC]  }
0x2e: {  	s3 =	simm.s32 @!p0 $0x1082;
	s9 =	sld [smem:$0x3FAD]  }
0x2f: {  	lr =	sadd.s32 s0, s3;
	s0 =	sld [smem:$0x3FA4]  }
0x30: {  	s3 =	sld [smem:$0x3FA7]  }
0x31: {  	[smem:$0x3FB0] =	sst s10  }
0x32: {  	s10 =	sld [smem:$0x3FAE];
	_ =	sdelay $0x3  }
0x33: {  	p0 =	seq.s32 s10, $0x1;
	s10 =	sld [smem:$0x3FB0];
	_ =	sdelay $0x3  }
0x34: {  	[smem:$0x3FB0] =	sst s10  }
0x35: {  	s10 =	sld [smem:$0x3FAF];
	_ =	sdelay $0x3  }
0x36: {  	p1 =	seq.s32 s10, $0x1;
	s10 =	sld [smem:$0x3FB0];
	_ =	sdelay $0x3  }
0x37: {  	[smem:$0x3FB0] =	sst s10  }
0x38: {  	s10 =	sld [smem:$0x3FB1]  }
0x39: {  	_ = 	snop;
	(pc) =	sbr.ind lr, $3  }
0x3a: {  	_ = 	snop  }
0x3b: {  	_ = 	snop  }
0x3c: {  	p2 =	seq.s32 s10, $0x1;
	s10 =	sld [smem:$0x3FB0]  }
0x3d: {  	_ =	shalt  }
0x3e: {  	_ =	shalt  }
0x3f: {  	_ =	shalt  }
0x40: {  	_ =	shalt  }
0x41: {  	_ =	shalt  }
0x42: {  	_ =	shalt  }
0x43: {  	_ =	shalt  }
0x44: {  	_ =	shalt  }
0x45: {  	_ =	shalt  }
0x46: {  	_ =	shalt  }
0x47: {  	_ =	shalt  }
0x48: {  	_ =	shalt  }
0x49: {  	_ =	shalt  }
0x4a: {  	_ =	shalt  }
0x4b: {  	_ =	shalt  }
0x4c: {  	_ =	shalt  }
0x4d: {  	_ =	shalt  }
0x4e: {  	_ =	shalt  }
0x4f: {  	_ =	shalt  }
0x50: {  	_ =	shalt  }
0x51: {  	_ =	shalt  }
0x52: {  	_ =	shalt  }
0x53: {  	_ =	shalt  }
0x54: {  	_ =	shalt  }
0x55: {  	_ =	shalt  }
0x56: {  	_ =	shalt  }
0x57: {  	_ =	shalt  }
0x58: {  	_ =	shalt  }
0x59: {  	_ =	shalt  }
0x5a: {  	_ =	shalt  }
0x5b: {  	_ =	shalt  }
0x5c: {  	_ =	shalt  }
0x5d: {  	_ =	shalt  }
0x5e: {  	_ =	shalt  }
0x5f: {  	_ =	shalt  }
0x60: {  	_ =	shalt  }
0x61: {  	_ =	shalt  }
0x62: {  	_ =	shalt  }
0x63: {  	_ =	shalt  }
0x64: {  	_ =	shalt  }
0x65: {  	_ =	shalt  }
0x66: {  	_ =	shalt  }
0x67: {  	_ =	shalt  }
0x68: {  	_ =	shalt  }
0x69: {  	_ =	shalt  }
0x6a: {  	_ =	shalt  }
0x6b: {  	_ =	shalt  }
0x6c: {  	_ =	shalt  }
0x6d: {  	_ =	shalt  }
0x6e: {  	_ =	shalt  }
0x6f: {  	_ =	shalt  }
0x70: {  	_ =	shalt  }
0x71: {  	_ =	shalt  }
0x72: {  	_ =	shalt  }
0x73: {  	_ =	shalt  }
0x74: {  	_ =	shalt  }
0x75: {  	_ =	shalt  }
0x76: {  	_ =	shalt  }
0x77: {  	_ =	shalt  }
0x78: {  	_ =	shalt  }
0x79: {  	_ =	shalt  }
0x7a: {  	_ =	shalt  }
0x7b: {  	_ =	shalt  }
0x7c: {  	_ =	shalt  }
0x7d: {  	_ =	shalt  }
0x7e: {  	_ =	shalt  }
0x7f: {  	_ =	shalt  }
0x80: {  	_ =	shalt  }
0x81: {  	_ =	shalt  }
0x82: {  	_ =	shalt  }
0x83: {  	_ =	shalt  }
0x84: {  	_ =	shalt  }
0x85: {  	_ =	shalt  }
0x86: {  	_ =	shalt  }
0x87: {  	_ =	shalt  }
.Lfunc_end0:
.L_simem_size_0:
called_computation.1_lowered:
.L_overlay_start_0:
0x88: {  	s2 =	sld [smem:$0x3FD9]  }
0x89: {  	s3 =	sld [smem:$0x3FFE];
	_ =	sdelay $0x1  }
0x8a: {  	s1 =	srdreg.scid  }
0x8b: {  	s0 =	sand.u32 $0x1, s1  }
0x8c: {  	s16 =	sshll.u32 s0, $0xA;
	s2 =	sadd.s32 s3, s2  }
0x8d: {  	s2 =	sadd.s32 s2, s16  }
0x8e: {  	[smem:$0x3FBC] =	sst s2  }
0x8f: {  	_ = 	snop  }
0x90: {  	(tm) =	ssettm $0x1  }
0x91: {  	s17 =	sld [smem:$0x3FFB];
	_ =	sdelay $0x3  }
0x92: {  	_ =	strace s17  }
0x93: {  	s2 =	sld [smem:$0x3FFC];
	_ =	sdelay $0x3  }
0x94: {  	_ =	strace s2  }
0x95: {  	s2 =	sld [smem:$0x3FFD];
	_ =	sdelay $0x3  }
0x96: {  	_ =	strace s2  }
0x97: {  	_ =	strace $0x8FFFFFFF  }
0x98: {  	s18 =	sld [smem:$0x3FDB];
	_ =	sdelay $0x1  }
0x99: {  	s19 =	simm.s32 $_scs_section_size  }
0x9a: {  	s4 =	simm.s32 $_size__tile_overlayer_lowered;
	s5 =	simm.s32 $_tile_overlayer_lowered  }
0x9b: {  	s22 =	simm.s32 $0x1BFF;
	s21 =	sshll.u32 s5, $0x1;
	s2 =	sadd.s32 s19, s18  }
0x9c: {  	s6 =	simm.s32 $0x0;
	s20 =	sshll.u32 s4, $0x1;
	s4 =	sadd.s32 s21, s2  }
0x9d: {  	[timem:s6], [sflag:s22] =	dma.local [hbm:s4], s20  }
0x9e: {  	_ =	swait.ge [sflag:s22], s20  }
0x9f: {  	s3 =	ssub.s32 $0x0, s20;
	[sflag:s22] =	ssyncset.done $0x0  }
0xa0: {  	[sflag:s22] =	ssyncadd.s32 s3;
	_ =	sdelay $0x1  }
0xa1: {  	s23 =	simm.s32 $0x1B8B  }
0xa2: {  	_ =	swait.ge [sflag:s23], $0x1  }
0xa3: {  	[sflag:s23] =	ssyncset.done $0x0  }
0xa4: {  	s25 =	simm.s32 $0x1B8E;
	s24 =	sld [smem:$0x3FFE];
	[sflag:s23] =	ssyncadd.s32 $0xFFFFFFFF  }
0xa5: {  	s26 =	simm.s32 $execute0_lowered;
	[smem:$0x3FD2] =	sst s25  }
0xa6: {  	s4 =	sshll.u32 s26, $0x1;
	_ =	strace $0x80000049;
	[dreg:$0x1] =	wrdreg $0xFFFFFFFF  }
0xa7: {  	s28 =	simm.s32 $_size_execute0_lowered;
	s2 =	sadd.s32 s2, s4;
	[dreg:$0x0] =	wrdreg $0x0  }
0xa8: {  	s4 =	sshll.u32 s28, $0x1;
	[dreg:$0x2] =	wrdreg s2  }
0xa9: {  	[dreg:$0x3] =	wrdreg s4  }
0xaa: {  	[dreg:$0x4] =	wrdreg $0xC0  }
0xab: {  	_ =	task [dreg:s6], $0x5FFFF  }
0xac: {  	[dreg:$0x1] =	wrdreg $0xFFFFFFFF  }
0xad: {  	[dreg:$0x0] =	wrdreg $0x60  }
0xae: {  	[dreg:$0x2] =	wrdreg s24  }
0xaf: {  	[dreg:$0x3] =	wrdreg $0x6F000  }
0xb0: {  	[dreg:$0x4] =	wrdreg $0x9  }
0xb1: {  	_ =	task.clear_ibuf [dreg:s6], $0x5FFFF;
	_ =	strace $0x90000049  }
0xb2: {  	s29 =	simm.s32 $0x9;
	_ =	strace $0x8000004B  }
0xb3: {  	_ =	swait.ge [sflag:s29], $0x1  }
0xb4: {  	[sflag:s29] =	ssyncadd.s32 $0xFFFFFFFF  }
0xb5: {  	_ =	strace $0x9000004B  }
0xb6: {  	_ =	sfence  }
0xb7: {  	s30 =	sld [smem:$0x0];
	_ =	sdelay $0x2  }
0xb8: {  	s31 =	sshll.u32 s1, $0xD;
	s1 =	sshrl.u32 s1, $0x2  }
0xb9: {  	s3 =	sand.u32 $0x4000, s31;
	s1 =	sadd.s32 s1, s30  }
0xba: {  	s0 =	sor.u32 s3, s0;
	s1 =	sshll.u32 s1, $0x11  }
0xbb: {  	s0 =	sor.u32 s1, s0  }
0xbc: {  	s0 =	sadd.s32 $0x8F2B, s0  }
0xbd: {  	[sflag:s0] =	ssyncadd.remote.s32 $0x1  }
0xbe: {  	_ =	sfence.sel $0xFFFF  }
0xbf: {  	[dreg:$0x0] =	wrdreg $0xFFFFFFFF;
	(pc) =	sbr.abs _section_cstart, $3  }
0xc0: {  	[dreg:$0x1] =	wrdreg $0xFFFFFFFF  }
0xc1: {  	_ =	task.clear_ibuf [dreg:s6], $0x2FFFF;
	_ =	strace $0x9FFFFFFF  }
0xc2: {  	(tm) =	ssettm $0x7FFFFFFF  }
0xc3: {  	_ =	shalt  }
tec
execute0_lowered:
.L_overlay_start_1:
0x0: {  	(tag) =	ssettag $0x1  }
0x1: {  	s6 =	rddreg [dreg:$0x0]  }
0x2: {  	s0 =	srdreg.scid;
	s2 =	rddreg [dreg:$0x1];
	s3 =	simm.s32 $0x0  }
0x3: {  	s13 =	simm.s32 $0x2780;
	s14 =	simm.s32 $0x80;
	s15 =	simm.s32 $0x4F00  }
0x4: {  	s16 =	simm.s32 $0x5F00;
	s17 =	simm.s32 $0x1;
	s18 =	simm.s32 $0x4  }
0x5: {  	s19 =	simm.s32 $0x2;
	s20 =	simm.s32 $0x4E80;
	s21 =	simm.s32 $0x0  }
0x6: {  	s5 =	sand.u32 $0x1, s0;
	s0 =	stileid.u32;
	[smem:$0x7FF] =	sst s3  }
0x7: {  	s4 =	sadd.s32 $0x2000, s6;
	s1 =	sshll.u32 s5, $0x4;
	s8 =	smul.u32 $0x5000, s0  }
0x8: {  	s9 =	smul.u32 $0x50000, s5;
	s5 =	ssub.s32 $0x2, s5;
	s1 =	sor.u32 s0, s1  }
0x9: {  	s31 =	sshll.u32 s0, $0x6;
	s11 =	sshrl.u32 s5, $0x1;
	s7 =	smul.u32 $0x4F0, s1  }
0xa: {  	s1 =	rddreg [dreg:$0x2];
	_ =	strace $0x8000004A;
	s30 =	sshrl.u32 s8, $0x3  }
0xb: {  	s9 =	sadd.s32 s8, s9;
	s11 =	ssub.s32 s5, s11;
	s12 =	sadd.s32 s8, s2  }
0xc: {  	s9 =	sshrl.u32 s9, $0x3;
	s10 =	sadd.s32 s7, s6;
	s7 =	sadd.s32 s30, s6  }
0xd: {  	s9 =	sadd.s32 s9, s6;
	s6 =	sor.u32 $0x1C03, s31;
	s5 =	sadd.s32 $0xC000, s7  }
0xe: {  	s7 =	sadd.s32 $0x79C00, s10;
	s8 =	sadd.s32 $0x83A00, s10;
	s9 =	sadd.s32 $0x16000, s9  }
0xf: {  	s10 =	smax.u32 s11, $0x1;
	s11 =	sshrl.u32 s12, $0x3;
	s12 =	simm.s32 $0x3  }
.LBB2_1:
0x10: {  	[spmem:s11], [sflag:s6] =	dma.local [hbm:s5], $0xA00  }
0x11: {  	_ =	swait.ge [sflag:s12], $0xA00  }
0x12: {  	[sflag:s12] =	ssyncset.done $0x0  }
0x13: {  	[sflag:s12] =	ssyncadd.s32 $0xFFFFF600  }
0x14: {  	[tilespmem:s3], [sflag:$0x3] =	stream.linear.gather [hbm4b:s7+s3], $0x2780, $0x38;
	[tilespmem:$0xBF00] =	vst v63  }
0x15: {  	_ =	swait.ge [sflag:s12], $0x2780  }
0x16: {  	[sflag:s12] =	ssyncset.done $0x0  }
0x17: {  	[sflag:s12] =	ssyncadd.s32 $0xFFFFD880  }
0x18: {  	[tilespmem:s13], [sflag:$0x3] =	stream.linear.gather [hbm4b:s8+s3], $0x2780, $0x38;
	[tilespmem:$0xBF00] =	vst v63  }
0x19: {  	_ =	swait.ge [sflag:s12], $0x2780  }
0x1a: {  	[sflag:s12] =	ssyncset.done $0x0  }
0x1b: {  	[sflag:s12] =	ssyncadd.s32 $0xFFFFD880  }
0x1c: {  	[bflag:$0x0] =	sbarrier.arrive $0xFFFF  }
0x1d: {  	[tilespmem:s15], [sflag:$0x1] =	stream.indirect.gather [hbm4b:s4+s14], $0x20, s3, s14, $0xb8;
	[tilespmem:$0xBF00] =	vst v63  }
0x1e: {  	s22 =	simm.s32 $0x80  }
0x1f: {  	[tilespmem:s16], [sflag:$0x2] =	stream.indirect.gather [hbm4b:s4+s14], $0x20, s22, s14, $0xb8;
	[tilespmem:$0xBF00] =	vst v63  }
0x20: {  	_ =	swait.ge [sflag:s17], $0x1000  }
0x21: {  	[sflag:s17] =	ssyncset.done $0x0  }
0x22: {  	s29 =	simm.s32 $0x2780;
	[sflag:s17] =	ssyncadd.s32 $0xFFFFF000  }
0x23: {  	[spmem:s2] =	stream.indirect.scatter.add.f32 [tilespmem:s15], [sflag:$0x4], $0x20, s29, s14, $0xb8;
	[tilespmem:$0xBF00] =	vst v63  }
0x24: {  	_ =	swait.ge [sflag:s18], $0x1000  }
0x25: {  	[sflag:s18] =	ssyncset.done $0x0  }
0x26: {  	s30 =	simm.s32 $0x100;
	[sflag:s18] =	ssyncadd.s32 $0xFFFFF000  }
0x27: {  	[tilespmem:s15], [sflag:$0x1] =	stream.indirect.gather [hbm4b:s4+s14], $0x20, s30, s14, $0xb8;
	[tilespmem:$0xBF00] =	vst v63  }
0x28: {  	_ =	swait.ge [sflag:s19], $0x1000  }
0x29: {  	[sflag:s19] =	ssyncset.done $0x0  }
0x2a: {  	s31 =	simm.s32 $0x2800;
	[sflag:s19] =	ssyncadd.s32 $0xFFFFF000  }
0x2b: {  	[spmem:s2] =	stream.indirect.scatter.add.f32 [tilespmem:s16], [sflag:$0x3], $0x20, s31, s14, $0xb8;
	[tilespmem:$0xBF00] =	vst v63  }
0x2c: {  	_ =	swait.ge [sflag:s12], $0x1000  }
0x2d: {  	s23 =	simm.s32 $0x800;
	s22 =	simm.s32 $0x100;
	[sflag:s12] =	ssyncset.done $0x0  }
.LBB2_2:
0x2e: {  	s24 =	sadd.s32 $0x80, s22  }
0x2f: {  	[sflag:s12] =	ssyncadd.s32 $0xFFFFF000;
	s25 =	smov.u32 s23;
	s26 =	sadd.s32 $0x400, s23  }
0x30: {  	[tilespmem:s16], [sflag:$0x2] =	stream.indirect.gather [hbm4b:s4+s14], $0x20, s24, s14, $0xb8;
	[tilespmem:$0xBF00] =	vst v63  }
0x31: {  	p0 =	sne.s32 s23, $0x9800;
	_ =	swait.ge [sflag:s17], $0x1000  }
0x32: {  	[sflag:s17] =	ssyncset.done $0x0  }
0x33: {  	s23 =	sadd.s32 $0x2780, s22;
	[sflag:s17] =	ssyncadd.s32 $0xFFFFF000  }
0x34: {  	[spmem:s2] =	stream.indirect.scatter.add.f32 [tilespmem:s15], [sflag:$0x4], $0x20, s23, s14, $0xb8;
	[tilespmem:$0xBF00] =	vst v63  }
0x35: {  	_ =	swait.ge [sflag:s18], $0x1000  }
0x36: {  	[sflag:s18] =	ssyncset.done $0x0  }
0x37: {  	s23 =	sadd.s32 $0x100, s22;
	[sflag:s18] =	ssyncadd.s32 $0xFFFFF000  }
0x38: {  	[tilespmem:s15], [sflag:$0x1] =	stream.indirect.gather [hbm4b:s4+s14], $0x20, s23, s14, $0xb8;
	[tilespmem:$0xBF00] =	vst v63  }
0x39: {  	_ =	swait.ge [sflag:s19], $0x1000  }
.Ltmp0:
0x3a: {  	[sflag:s19] =	ssyncset.done $0x0;
	(pc) =	sbr.rel @p0 .LBB2_2-.Ltmp0, $4  }
0x3b: {  	s22 =	sadd.s32 $0x2800, s22;
	[sflag:s19] =	ssyncadd.s32 $0xFFFFF000  }
0x3c: {  	[spmem:s2] =	stream.indirect.scatter.add.f32 [tilespmem:s16], [sflag:$0x3], $0x20, s22, s14, $0xb8;
	[tilespmem:$0xBF00] =	vst v63  }
0x3d: {  	_ =	swait.ge [sflag:s12], $0x1000  }
0x3e: {  	s23 =	smov.u32 s26;
	s22 =	sshra.s32 s25, $0x2;
	[sflag:s12] =	ssyncset.done $0x0  }
0x3f: {  	s23 =	sadd.s32 $0x80, s22;
	[sflag:s12] =	ssyncadd.s32 $0xFFFFF000  }
0x40: {  	[tilespmem:s16], [sflag:$0x2] =	stream.indirect.gather [hbm4b:s4+s14], $0x20, s23, s14, $0xb8;
	[tilespmem:$0xBF00] =	vst v63  }
0x41: {  	_ =	swait.ge [sflag:s17], $0x1000  }
0x42: {  	[sflag:s17] =	ssyncset.done $0x0  }
0x43: {  	s29 =	sadd.s32 $0x2780, s22;
	[sflag:s17] =	ssyncadd.s32 $0xFFFFF000  }
0x44: {  	[spmem:s2] =	stream.indirect.scatter.add.f32 [tilespmem:s15], [sflag:$0x4], $0x20, s29, s14, $0xb8;
	[tilespmem:$0xBF00] =	vst v63  }
0x45: {  	_ =	swait.ge [sflag:s18], $0x1000  }
0x46: {  	[sflag:s18] =	ssyncset.done $0x0  }
0x47: {  	s30 =	sadd.s32 $0x100, s22;
	[sflag:s18] =	ssyncadd.s32 $0xFFFFF000  }
0x48: {  	[tilespmem:s15], [sflag:$0x1] =	stream.indirect.gather [hbm4b:s4+s14], $0x20, s30, s14, $0xb8;
	[tilespmem:$0xBF00] =	vst v63  }
0x49: {  	_ =	swait.ge [sflag:s19], $0x1000  }
0x4a: {  	[sflag:s19] =	ssyncset.done $0x0  }
0x4b: {  	s31 =	sadd.s32 $0x2800, s22;
	[sflag:s19] =	ssyncadd.s32 $0xFFFFF000  }
0x4c: {  	[spmem:s2] =	stream.indirect.scatter.add.f32 [tilespmem:s16], [sflag:$0x3], $0x20, s31, s14, $0xb8;
	[tilespmem:$0xBF00] =	vst v63  }
0x4d: {  	_ =	swait.ge [sflag:s12], $0x1000  }
0x4e: {  	[sflag:s12] =	ssyncset.done $0x0  }
0x4f: {  	[sflag:s12] =	ssyncadd.s32 $0xFFFFF000  }
0x50: {  	_ =	swait.ge [sflag:s17], $0x1000  }
0x51: {  	[sflag:s17] =	ssyncset.done $0x0  }
0x52: {  	[sflag:s17] =	ssyncadd.s32 $0xFFFFF000  }
0x53: {  	[spmem:s2] =	stream.indirect.scatter.add.f32 [tilespmem:s15], [sflag:$0x4], $0x20, s20, s14, $0xb8;
	[tilespmem:$0xBF00] =	vst v63  }
0x54: {  	_ =	swait.ge [sflag:s18], $0x1000  }
0x55: {  	s21 =	sadd.s32 $0x1, s21;
	[sflag:s18] =	ssyncset.done $0x0  }
0x56: {  	p0 =	sne.s32 s21, s10;
	[sflag:s18] =	ssyncadd.s32 $0xFFFFF000  }
.Ltmp1:
0x57: {  	[bflag:$0x0] =	sbarrier.arrive $0xFFFF;
	(pc) =	sbr.rel @p0 .LBB2_1-.Ltmp1, $4  }
0x58: {  	[hbm:s9], [sflag:s6] =	dma.local [spmem:s11], $0xA00  }
0x59: {  	_ =	swait.ge [sflag:s12], $0xA00  }
0x5a: {  	[sflag:s12] =	ssyncset.done $0x0  }
0x5b: {  	[sflag:s12] =	ssyncadd.s32 $0xFFFFF600  }
0x5c: {  	_ =	sfence.sel $0x180000  }
0x5d: {  	[bflag:$0x0] =	sbarrier.arrive $0xFFFF  }
0x5e: {  	p0 =	sne.s32 s0, $0x0;
	_ =	strace $0x9000004A  }
0x5f: {  	s0 =	sadd.s32 @!p0 $0x100000, s1;
	[bflag:$0x2] =	sbarrier.arrive $0xFFFF  }
0x60: {  	[sflag:s0] =	ssyncadd.tile.s32 @!p0 $0x1;
	_ =	shalt  }
.Lfunc_end2:
_tile_overlayer_lowered:
.L_overlay_start_2:
0x61: {  	(tag) =	ssettag $0x2  }
0x62: {  	s0 =	rddreg [dreg:$0x0];
	s2 =	stileid.u32  }
0x63: {  	s1 =	rddreg [dreg:$0x1];
	p0 =	sne.s32 s2, $0x0  }
0x64: {  	s3 =	rddreg [dreg:$0x2];
	[bflag:$0x3] =	sbarrier.arrive $0xFFFF;
	s2 =	simm.s32 @!p0 $0x1C03  }
0x65: {  	[timem:s3], [sflag:s2] =	dma.local @!p0 [hbm:s0], s1  }
0x66: {  	s0 =	simm.s32 @!p0 $0x3  }
0x67: {  	_ =	swait.ge @!p0 [sflag:s0], s1  }
0x68: {  	s1 =	ssub.s32 @!p0 $0x0, s1;
	[sflag:s0] =	ssyncset.done @!p0 $0x0  }
0x69: {  	[sflag:s0] =	ssyncadd.s32 @!p0 s1  }
0x6a: {  	[bflag:$0x3] =	sbarrier.arrive $0xFFFF  }
0x6b: {  	_ =	shalt  }

// kernel: kernel.14.cloned.1.call-start
scs
__scs_entry_jumppad:
0x0: {  	(pc) =	sbr.rel $0x88, $3  }
0x1: {  	(tag) =	ssettag $0x0;
	lr =	simm.s32 $0x1  }
0x2: {  	[smem:$0x3F95] =	sst lr;
	_ =	strace $0xD0000000  }
0x3: {  	_ = 	snop  }
0x4: {  	_ = 	snop  }
0x5: {  	_ = 	snop  }
0x6: {  	_ = 	snop  }
0x7: {  	_ = 	snop  }
__scs_overlays_trampoline_lowered:
0x8: {  	[smem:$0x3FA4] =	sst s0  }
0x9: {  	[smem:$0x3FA5] =	sst s1  }
0xa: {  	[smem:$0x3FA6] =	sst s2  }
0xb: {  	[smem:$0x3FA7] =	sst s3  }
0xc: {  	[smem:$0x3FA8] =	sst s4  }
0xd: {  	[smem:$0x3FA9] =	sst s5  }
0xe: {  	[smem:$0x3FAA] =	sst s6  }
0xf: {  	[smem:$0x3FAB] =	sst s7  }
0x10: {  	[smem:$0x3FAC] =	sst s8  }
0x11: {  	[smem:$0x3FAD] =	sst s9;
	s0 =	simm.s32 @!p0 $0x0  }
0x12: {  	s1 =	sld [smem:$0x3F93];
	s0 =	simm.s32 @p0 $0x1  }
0x13: {  	[smem:$0x3FAE] =	sst s0;
	s0 =	simm.s32 @!p1 $0x0  }
0x14: {  	s2 =	sld [smem:$0x3F92];
	s0 =	simm.s32 @p1 $0x1  }
0x15: {  	[smem:$0x3FAF] =	sst s0;
	s0 =	simm.s32 @!p2 $0x0  }
0x16: {  	s3 =	sld [smem:$0x3FDB];
	s0 =	simm.s32 @p2 $0x1  }
0x17: {  	s4 =	simm.s32 $0x1BF5;
	[smem:$0x3FB1] =	sst s0  }
0x18: {  	s0 =	sld [smem:$0x3F94];
	_ =	swait.ge [sflag:s4], $0x0  }
0x19: {  	s7 =	sld [smem:$0x3F95]  }
0x1a: {  	s8 =	sadd.s32 $0xFFFFE003, lr  }
0x1b: {  	s9 =	sadd.s32 $0xFFFFFEF7, lr;
	s5 =	simm.s32 $0xFFFFFFFF;
	p2 =	slt.u32 s8, $0xFFFFF086  }
0x1c: {  	p1 =	slt.u32 s9, $0xF7A;
	s5 =	simm.s32 @!p2 $0x0  }
0x1d: {  	s5 =	simm.s32 @p1 $0x1;
	p0 =	seq.s32 s7, s2  }
0x1e: {  	s7 =	smul.u32 @!p0 $0xF7A, s2;
	p2 =	seq.s32 @!p0 s5, $0x0  }
0x1f: {  	s9 =	smul.u32 $0xF7A, s1;
	s8 =	simm.s32 @!p0 $0x1BF5;
	p2 =	por !p2, p0  }
0x20: {  	[sflag:s8] =	ssyncset.s32 @!p0 $0xFFFFF086;
	s6 =	sadd.s32 @!p0 s3, s7;
	s7 =	simm.s32 @!p0 $0x108  }
0x21: {  	s3 =	sadd.s32 s3, s9;
	s6 =	sadd.s32 @!p0 $0x88, s6;
	s7 =	simm.s32 @p2 $0x1082  }
0x22: {  	[simem:s7], [sflag:s8] =	dma.local @!p0 [hbm:s6], $0xF7A  }
0x23: {  	s9 =	sor.u32 $0xD0000000, s2;
	s6 =	simm.s32 $0x108;
	_ =	swait.ge @!p0 [sflag:s8], $0x0  }
0x24: {  	s3 =	sadd.s32 $0x88, s3;
	s6 =	simm.s32 @!p1 $0x1082;
	[sflag:s4] =	ssyncset.s32 $0xFFFFF086  }
0x25: {  	[simem:s6], [sflag:s4] =	dma.local [hbm:s3], $0xF7A  }
0x26: {  	[smem:$0x3F95] =	sst s1;
	(tag) =	ssettag s2;
	_ =	strace s9  }
0x27: {  	s1 =	sld [smem:$0x3FA5]  }
0x28: {  	s2 =	sld [smem:$0x3FA6]  }
0x29: {  	s4 =	sld [smem:$0x3FA8]  }
0x2a: {  	p0 =	seq.s32 s5, $0x0;
	s5 =	sld [smem:$0x3FA9]  }
0x2b: {  	s6 =	sld [smem:$0x3FAA]  }
0x2c: {  	s7 =	sld [smem:$0x3FAB]  }
0x2d: {  	s3 =	simm.s32 $0x108;
	s8 =	sld [smem:$0x3FAC]  }
0x2e: {  	s3 =	simm.s32 @!p0 $0x1082;
	s9 =	sld [smem:$0x3FAD]  }
0x2f: {  	lr =	sadd.s32 s0, s3;
	s0 =	sld [smem:$0x3FA4]  }
0x30: {  	s3 =	sld [smem:$0x3FA7]  }
0x31: {  	[smem:$0x3FB0] =	sst s10  }
0x32: {  	s10 =	sld [smem:$0x3FAE];
	_ =	sdelay $0x3  }
0x33: {  	p0 =	seq.s32 s10, $0x1;
	s10 =	sld [smem:$0x3FB0];
	_ =	sdelay $0x3  }
0x34: {  	[smem:$0x3FB0] =	sst s10  }
0x35: {  	s10 =	sld [smem:$0x3FAF];
	_ =	sdelay $0x3  }
0x36: {  	p1 =	seq.s32 s10, $0x1;
	s10 =	sld [smem:$0x3FB0];
	_ =	sdelay $0x3  }
0x37: {  	[smem:$0x3FB0] =	sst s10  }
0x38: {  	s10 =	sld [smem:$0x3FB1]  }
0x39: {  	_ = 	snop;
	(pc) =	sbr.ind lr, $3  }
0x3a: {  	_ = 	snop  }
0x3b: {  	_ = 	snop  }
0x3c: {  	p2 =	seq.s32 s10, $0x1;
	s10 =	sld [smem:$0x3FB0]  }
0x3d: {  	_ =	shalt  }
0x3e: {  	_ =	shalt  }
0x3f: {  	_ =	shalt  }
0x40: {  	_ =	shalt  }
0x41: {  	_ =	shalt  }
0x42: {  	_ =	shalt  }
0x43: {  	_ =	shalt  }
0x44: {  	_ =	shalt  }
0x45: {  	_ =	shalt  }
0x46: {  	_ =	shalt  }
0x47: {  	_ =	shalt  }
0x48: {  	_ =	shalt  }
0x49: {  	_ =	shalt  }
0x4a: {  	_ =	shalt  }
0x4b: {  	_ =	shalt  }
0x4c: {  	_ =	shalt  }
0x4d: {  	_ =	shalt  }
0x4e: {  	_ =	shalt  }
0x4f: {  	_ =	shalt  }
0x50: {  	_ =	shalt  }
0x51: {  	_ =	shalt  }
0x52: {  	_ =	shalt  }
0x53: {  	_ =	shalt  }
0x54: {  	_ =	shalt  }
0x55: {  	_ =	shalt  }
0x56: {  	_ =	shalt  }
0x57: {  	_ =	shalt  }
0x58: {  	_ =	shalt  }
0x59: {  	_ =	shalt  }
0x5a: {  	_ =	shalt  }
0x5b: {  	_ =	shalt  }
0x5c: {  	_ =	shalt  }
0x5d: {  	_ =	shalt  }
0x5e: {  	_ =	shalt  }
0x5f: {  	_ =	shalt  }
0x60: {  	_ =	shalt  }
0x61: {  	_ =	shalt  }
0x62: {  	_ =	shalt  }
0x63: {  	_ =	shalt  }
0x64: {  	_ =	shalt  }
0x65: {  	_ =	shalt  }
0x66: {  	_ =	shalt  }
0x67: {  	_ =	shalt  }
0x68: {  	_ =	shalt  }
0x69: {  	_ =	shalt  }
0x6a: {  	_ =	shalt  }
0x6b: {  	_ =	shalt  }
0x6c: {  	_ =	shalt  }
0x6d: {  	_ =	shalt  }
0x6e: {  	_ =	shalt  }
0x6f: {  	_ =	shalt  }
0x70: {  	_ =	shalt  }
0x71: {  	_ =	shalt  }
0x72: {  	_ =	shalt  }
0x73: {  	_ =	shalt  }
0x74: {  	_ =	shalt  }
0x75: {  	_ =	shalt  }
0x76: {  	_ =	shalt  }
0x77: {  	_ =	shalt  }
0x78: {  	_ =	shalt  }
0x79: {  	_ =	shalt  }
0x7a: {  	_ =	shalt  }
0x7b: {  	_ =	shalt  }
0x7c: {  	_ =	shalt  }
0x7d: {  	_ =	shalt  }
0x7e: {  	_ =	shalt  }
0x7f: {  	_ =	shalt  }
0x80: {  	_ =	shalt  }
0x81: {  	_ =	shalt  }
0x82: {  	_ =	shalt  }
0x83: {  	_ =	shalt  }
0x84: {  	_ =	shalt  }
0x85: {  	_ =	shalt  }
0x86: {  	_ =	shalt  }
0x87: {  	_ =	shalt  }
.Lfunc_end0:
.L_simem_size_0:
called_computation.2_lowered:
.L_overlay_start_0:
0x88: {  	s2 =	sld [smem:$0x3FD9]  }
0x89: {  	s3 =	sld [smem:$0x3FFE];
	_ =	sdelay $0x1  }
0x8a: {  	s1 =	srdreg.scid  }
0x8b: {  	s0 =	sand.u32 $0x1, s1  }
0x8c: {  	s16 =	sshll.u32 s0, $0xA;
	s2 =	sadd.s32 s3, s2  }
0x8d: {  	s2 =	sadd.s32 s2, s16  }
0x8e: {  	[smem:$0x3FBC] =	sst s2  }
0x8f: {  	_ = 	snop  }
0x90: {  	(tm) =	ssettm $0x1  }
0x91: {  	s17 =	sld [smem:$0x3FFB];
	_ =	sdelay $0x3  }
0x92: {  	_ =	strace s17  }
0x93: {  	s2 =	sld [smem:$0x3FFC];
	_ =	sdelay $0x3  }
0x94: {  	_ =	strace s2  }
0x95: {  	s2 =	sld [smem:$0x3FFD];
	_ =	sdelay $0x3  }
0x96: {  	_ =	strace s2  }
0x97: {  	_ =	strace $0x8FFFFFFF  }
0x98: {  	s18 =	sld [smem:$0x3FDB];
	_ =	sdelay $0x1  }
0x99: {  	s19 =	simm.s32 $_scs_section_size  }
0x9a: {  	s4 =	simm.s32 $_size__tile_overlayer_lowered;
	s5 =	simm.s32 $_tile_overlayer_lowered  }
0x9b: {  	s22 =	simm.s32 $0x1BFF;
	s21 =	sshll.u32 s5, $0x1;
	s2 =	sadd.s32 s19, s18  }
0x9c: {  	s6 =	simm.s32 $0x0;
	s20 =	sshll.u32 s4, $0x1;
	s4 =	sadd.s32 s21, s2  }
0x9d: {  	[timem:s6], [sflag:s22] =	dma.local [hbm:s4], s20  }
0x9e: {  	_ =	swait.ge [sflag:s22], s20  }
0x9f: {  	s3 =	ssub.s32 $0x0, s20;
	[sflag:s22] =	ssyncset.done $0x0  }
0xa0: {  	[sflag:s22] =	ssyncadd.s32 s3;
	_ =	sdelay $0x1  }
0xa1: {  	s23 =	simm.s32 $0x1B8B  }
0xa2: {  	_ =	swait.ge [sflag:s23], $0x1  }
0xa3: {  	[sflag:s23] =	ssyncset.done $0x0  }
0xa4: {  	s25 =	simm.s32 $0x1B8E;
	s24 =	sld [smem:$0x3FFE];
	[sflag:s23] =	ssyncadd.s32 $0xFFFFFFFF  }
0xa5: {  	s26 =	simm.s32 $execute0_lowered;
	[smem:$0x3FD2] =	sst s25  }
0xa6: {  	s4 =	sshll.u32 s26, $0x1;
	_ =	strace $0x8000004C;
	[dreg:$0x1] =	wrdreg $0xFFFFFFFF  }
0xa7: {  	s28 =	simm.s32 $_size_execute0_lowered;
	s2 =	sadd.s32 s2, s4;
	[dreg:$0x0] =	wrdreg $0x0  }
0xa8: {  	s4 =	sshll.u32 s28, $0x1;
	[dreg:$0x2] =	wrdreg s2  }
0xa9: {  	[dreg:$0x3] =	wrdreg s4  }
0xaa: {  	[dreg:$0x4] =	wrdreg $0xC0  }
0xab: {  	_ =	task [dreg:s6], $0x5FFFF  }
0xac: {  	[dreg:$0x1] =	wrdreg $0xFFFFFFFF  }
0xad: {  	[dreg:$0x0] =	wrdreg $0x60  }
0xae: {  	[dreg:$0x2] =	wrdreg s24  }
0xaf: {  	[dreg:$0x3] =	wrdreg $0x6F000  }
0xb0: {  	[dreg:$0x4] =	wrdreg $0x9  }
0xb1: {  	_ =	task.clear_ibuf [dreg:s6], $0x5FFFF;
	_ =	strace $0x9000004C  }
0xb2: {  	s29 =	simm.s32 $0x9;
	_ =	strace $0x8000004E  }
0xb3: {  	_ =	swait.ge [sflag:s29], $0x1  }
0xb4: {  	[sflag:s29] =	ssyncadd.s32 $0xFFFFFFFF  }
0xb5: {  	_ =	strace $0x9000004E  }
0xb6: {  	_ =	sfence  }
0xb7: {  	s30 =	sld [smem:$0x0];
	_ =	sdelay $0x2  }
0xb8: {  	s31 =	sshll.u32 s1, $0xD;
	s1 =	sshrl.u32 s1, $0x2  }
0xb9: {  	s3 =	sand.u32 $0x4000, s31;
	s1 =	sadd.s32 s1, s30  }
0xba: {  	s0 =	sor.u32 s3, s0;
	s1 =	sshll.u32 s1, $0x11  }
0xbb: {  	s0 =	sor.u32 s1, s0  }
0xbc: {  	s0 =	sadd.s32 $0x8F2B, s0  }
0xbd: {  	[sflag:s0] =	ssyncadd.remote.s32 $0x1  }
0xbe: {  	_ =	sfence.sel $0xFFFF  }
0xbf: {  	[dreg:$0x0] =	wrdreg $0xFFFFFFFF;
	(pc) =	sbr.abs _section_cstart, $3  }
0xc0: {  	[dreg:$0x1] =	wrdreg $0xFFFFFFFF  }
0xc1: {  	_ =	task.clear_ibuf [dreg:s6], $0x2FFFF;
	_ =	strace $0x9FFFFFFF  }
0xc2: {  	(tm) =	ssettm $0x7FFFFFFF  }
0xc3: {  	_ =	shalt  }
tec
execute0_lowered:
.L_overlay_start_1:
0x0: {  	(tag) =	ssettag $0x1  }
0x1: {  	s6 =	rddreg [dreg:$0x0]  }
0x2: {  	s0 =	srdreg.scid;
	s2 =	rddreg [dreg:$0x1];
	s3 =	simm.s32 $0x0  }
0x3: {  	s13 =	simm.s32 $0x2780;
	s14 =	simm.s32 $0x80;
	s15 =	simm.s32 $0x4F00  }
0x4: {  	s16 =	simm.s32 $0x5F00;
	s17 =	simm.s32 $0x1;
	s18 =	simm.s32 $0x4  }
0x5: {  	s19 =	simm.s32 $0x2;
	s20 =	simm.s32 $0x4E80;
	s21 =	simm.s32 $0x0  }
0x6: {  	s5 =	sand.u32 $0x1, s0;
	s0 =	stileid.u32;
	[smem:$0x7FF] =	sst s3  }
0x7: {  	s4 =	sadd.s32 $0x2000, s6;
	s1 =	sshll.u32 s5, $0x4;
	s8 =	smul.u32 $0x5000, s0  }
0x8: {  	s9 =	smul.u32 $0x50000, s5;
	s5 =	ssub.s32 $0x2, s5;
	s1 =	sor.u32 s0, s1  }
0x9: {  	s31 =	sshll.u32 s0, $0x6;
	s11 =	sshrl.u32 s5, $0x1;
	s7 =	smul.u32 $0x4F0, s1  }
0xa: {  	s1 =	rddreg [dreg:$0x2];
	_ =	strace $0x8000004D;
	s30 =	sshrl.u32 s8, $0x3  }
0xb: {  	s9 =	sadd.s32 s8, s9;
	s11 =	ssub.s32 s5, s11;
	s12 =	sadd.s32 s8, s2  }
0xc: {  	s9 =	sshrl.u32 s9, $0x3;
	s10 =	sadd.s32 s7, s6;
	s7 =	sadd.s32 s30, s6  }
0xd: {  	s9 =	sadd.s32 s9, s6;
	s6 =	sor.u32 $0x1C03, s31;
	s5 =	sadd.s32 $0xC000, s7  }
0xe: {  	s7 =	sadd.s32 $0x79C00, s10;
	s8 =	sadd.s32 $0x83A00, s10;
	s9 =	sadd.s32 $0x16000, s9  }
0xf: {  	s10 =	smax.u32 s11, $0x1;
	s11 =	sshrl.u32 s12, $0x3;
	s12 =	simm.s32 $0x3  }
.LBB2_1:
0x10: {  	[spmem:s11], [sflag:s6] =	dma.local [hbm:s5], $0xA00  }
0x11: {  	_ =	swait.ge [sflag:s12], $0xA00  }
0x12: {  	[sflag:s12] =	ssyncset.done $0x0  }
0x13: {  	[sflag:s12] =	ssyncadd.s32 $0xFFFFF600  }
0x14: {  	[tilespmem:s3], [sflag:$0x3] =	stream.linear.gather [hbm4b:s7+s3], $0x2780, $0x38;
	[tilespmem:$0xBF00] =	vst v63  }
0x15: {  	_ =	swait.ge [sflag:s12], $0x2780  }
0x16: {  	[sflag:s12] =	ssyncset.done $0x0  }
0x17: {  	[sflag:s12] =	ssyncadd.s32 $0xFFFFD880  }
0x18: {  	[tilespmem:s13], [sflag:$0x3] =	stream.linear.gather [hbm4b:s8+s3], $0x2780, $0x38;
	[tilespmem:$0xBF00] =	vst v63  }
0x19: {  	_ =	swait.ge [sflag:s12], $0x2780  }
0x1a: {  	[sflag:s12] =	ssyncset.done $0x0  }
0x1b: {  	[sflag:s12] =	ssyncadd.s32 $0xFFFFD880  }
0x1c: {  	[bflag:$0x0] =	sbarrier.arrive $0xFFFF  }
0x1d: {  	[tilespmem:s15], [sflag:$0x1] =	stream.indirect.gather [hbm4b:s4+s14], $0x20, s3, s14, $0xb8;
	[tilespmem:$0xBF00] =	vst v63  }
0x1e: {  	s22 =	simm.s32 $0x80  }
0x1f: {  	[tilespmem:s16], [sflag:$0x2] =	stream.indirect.gather [hbm4b:s4+s14], $0x20, s22, s14, $0xb8;
	[tilespmem:$0xBF00] =	vst v63  }
0x20: {  	_ =	swait.ge [sflag:s17], $0x1000  }
0x21: {  	[sflag:s17] =	ssyncset.done $0x0  }
0x22: {  	s29 =	simm.s32 $0x2780;
	[sflag:s17] =	ssyncadd.s32 $0xFFFFF000  }
0x23: {  	[spmem:s2] =	stream.indirect.scatter.add.f32 [tilespmem:s15], [sflag:$0x4], $0x20, s29, s14, $0xb8;
	[tilespmem:$0xBF00] =	vst v63  }
0x24: {  	_ =	swait.ge [sflag:s18], $0x1000  }
0x25: {  	[sflag:s18] =	ssyncset.done $0x0  }
0x26: {  	s30 =	simm.s32 $0x100;
	[sflag:s18] =	ssyncadd.s32 $0xFFFFF000  }
0x27: {  	[tilespmem:s15], [sflag:$0x1] =	stream.indirect.gather [hbm4b:s4+s14], $0x20, s30, s14, $0xb8;
	[tilespmem:$0xBF00] =	vst v63  }
0x28: {  	_ =	swait.ge [sflag:s19], $0x1000  }
0x29: {  	[sflag:s19] =	ssyncset.done $0x0  }
0x2a: {  	s31 =	simm.s32 $0x2800;
	[sflag:s19] =	ssyncadd.s32 $0xFFFFF000  }
0x2b: {  	[spmem:s2] =	stream.indirect.scatter.add.f32 [tilespmem:s16], [sflag:$0x3], $0x20, s31, s14, $0xb8;
	[tilespmem:$0xBF00] =	vst v63  }
0x2c: {  	_ =	swait.ge [sflag:s12], $0x1000  }
0x2d: {  	s23 =	simm.s32 $0x800;
	s22 =	simm.s32 $0x100;
	[sflag:s12] =	ssyncset.done $0x0  }
.LBB2_2:
0x2e: {  	s24 =	sadd.s32 $0x80, s22  }
0x2f: {  	[sflag:s12] =	ssyncadd.s32 $0xFFFFF000;
	s25 =	smov.u32 s23;
	s26 =	sadd.s32 $0x400, s23  }
0x30: {  	[tilespmem:s16], [sflag:$0x2] =	stream.indirect.gather [hbm4b:s4+s14], $0x20, s24, s14, $0xb8;
	[tilespmem:$0xBF00] =	vst v63  }
0x31: {  	p0 =	sne.s32 s23, $0x9800;
	_ =	swait.ge [sflag:s17], $0x1000  }
0x32: {  	[sflag:s17] =	ssyncset.done $0x0  }
0x33: {  	s23 =	sadd.s32 $0x2780, s22;
	[sflag:s17] =	ssyncadd.s32 $0xFFFFF000  }
0x34: {  	[spmem:s2] =	stream.indirect.scatter.add.f32 [tilespmem:s15], [sflag:$0x4], $0x20, s23, s14, $0xb8;
	[tilespmem:$0xBF00] =	vst v63  }
0x35: {  	_ =	swait.ge [sflag:s18], $0x1000  }
0x36: {  	[sflag:s18] =	ssyncset.done $0x0  }
0x37: {  	s23 =	sadd.s32 $0x100, s22;
	[sflag:s18] =	ssyncadd.s32 $0xFFFFF000  }
0x38: {  	[tilespmem:s15], [sflag:$0x1] =	stream.indirect.gather [hbm4b:s4+s14], $0x20, s23, s14, $0xb8;
	[tilespmem:$0xBF00] =	vst v63  }
0x39: {  	_ =	swait.ge [sflag:s19], $0x1000  }
.Ltmp0:
0x3a: {  	[sflag:s19] =	ssyncset.done $0x0;
	(pc) =	sbr.rel @p0 .LBB2_2-.Ltmp0, $4  }
0x3b: {  	s22 =	sadd.s32 $0x2800, s22;
	[sflag:s19] =	ssyncadd.s32 $0xFFFFF000  }
0x3c: {  	[spmem:s2] =	stream.indirect.scatter.add.f32 [tilespmem:s16], [sflag:$0x3], $0x20, s22, s14, $0xb8;
	[tilespmem:$0xBF00] =	vst v63  }
0x3d: {  	_ =	swait.ge [sflag:s12], $0x1000  }
0x3e: {  	s23 =	smov.u32 s26;
	s22 =	sshra.s32 s25, $0x2;
	[sflag:s12] =	ssyncset.done $0x0  }
0x3f: {  	s23 =	sadd.s32 $0x80, s22;
	[sflag:s12] =	ssyncadd.s32 $0xFFFFF000  }
0x40: {  	[tilespmem:s16], [sflag:$0x2] =	stream.indirect.gather [hbm4b:s4+s14], $0x20, s23, s14, $0xb8;
	[tilespmem:$0xBF00] =	vst v63  }
0x41: {  	_ =	swait.ge [sflag:s17], $0x1000  }
0x42: {  	[sflag:s17] =	ssyncset.done $0x0  }
0x43: {  	s29 =	sadd.s32 $0x2780, s22;
	[sflag:s17] =	ssyncadd.s32 $0xFFFFF000  }
0x44: {  	[spmem:s2] =	stream.indirect.scatter.add.f32 [tilespmem:s15], [sflag:$0x4], $0x20, s29, s14, $0xb8;
	[tilespmem:$0xBF00] =	vst v63  }
0x45: {  	_ =	swait.ge [sflag:s18], $0x1000  }
0x46: {  	[sflag:s18] =	ssyncset.done $0x0  }
0x47: {  	s30 =	sadd.s32 $0x100, s22;
	[sflag:s18] =	ssyncadd.s32 $0xFFFFF000  }
0x48: {  	[tilespmem:s15], [sflag:$0x1] =	stream.indirect.gather [hbm4b:s4+s14], $0x20, s30, s14, $0xb8;
	[tilespmem:$0xBF00] =	vst v63  }
0x49: {  	_ =	swait.ge [sflag:s19], $0x1000  }
0x4a: {  	[sflag:s19] =	ssyncset.done $0x0  }
0x4b: {  	s31 =	sadd.s32 $0x2800, s22;
	[sflag:s19] =	ssyncadd.s32 $0xFFFFF000  }
0x4c: {  	[spmem:s2] =	stream.indirect.scatter.add.f32 [tilespmem:s16], [sflag:$0x3], $0x20, s31, s14, $0xb8;
	[tilespmem:$0xBF00] =	vst v63  }
0x4d: {  	_ =	swait.ge [sflag:s12], $0x1000  }
0x4e: {  	[sflag:s12] =	ssyncset.done $0x0  }
0x4f: {  	[sflag:s12] =	ssyncadd.s32 $0xFFFFF000  }
0x50: {  	_ =	swait.ge [sflag:s17], $0x1000  }
0x51: {  	[sflag:s17] =	ssyncset.done $0x0  }
0x52: {  	[sflag:s17] =	ssyncadd.s32 $0xFFFFF000  }
0x53: {  	[spmem:s2] =	stream.indirect.scatter.add.f32 [tilespmem:s15], [sflag:$0x4], $0x20, s20, s14, $0xb8;
	[tilespmem:$0xBF00] =	vst v63  }
0x54: {  	_ =	swait.ge [sflag:s18], $0x1000  }
0x55: {  	s21 =	sadd.s32 $0x1, s21;
	[sflag:s18] =	ssyncset.done $0x0  }
0x56: {  	p0 =	sne.s32 s21, s10;
	[sflag:s18] =	ssyncadd.s32 $0xFFFFF000  }
.Ltmp1:
0x57: {  	[bflag:$0x0] =	sbarrier.arrive $0xFFFF;
	(pc) =	sbr.rel @p0 .LBB2_1-.Ltmp1, $4  }
0x58: {  	[hbm:s9], [sflag:s6] =	dma.local [spmem:s11], $0xA00  }
0x59: {  	_ =	swait.ge [sflag:s12], $0xA00  }
0x5a: {  	[sflag:s12] =	ssyncset.done $0x0  }
0x5b: {  	[sflag:s12] =	ssyncadd.s32 $0xFFFFF600  }
0x5c: {  	_ =	sfence.sel $0x180000  }
0x5d: {  	[bflag:$0x0] =	sbarrier.arrive $0xFFFF  }
0x5e: {  	p0 =	sne.s32 s0, $0x0;
	_ =	strace $0x9000004D  }
0x5f: {  	s0 =	sadd.s32 @!p0 $0x100000, s1;
	[bflag:$0x2] =	sbarrier.arrive $0xFFFF  }
0x60: {  	[sflag:s0] =	ssyncadd.tile.s32 @!p0 $0x1;
	_ =	shalt  }
.Lfunc_end2:
_tile_overlayer_lowered:
.L_overlay_start_2:
0x61: {  	(tag) =	ssettag $0x2  }
0x62: {  	s0 =	rddreg [dreg:$0x0];
	s2 =	stileid.u32  }
0x63: {  	s1 =	rddreg [dreg:$0x1];
	p0 =	sne.s32 s2, $0x0  }
0x64: {  	s3 =	rddreg [dreg:$0x2];
	[bflag:$0x3] =	sbarrier.arrive $0xFFFF;
	s2 =	simm.s32 @!p0 $0x1C03  }
0x65: {  	[timem:s3], [sflag:s2] =	dma.local @!p0 [hbm:s0], s1  }
0x66: {  	s0 =	simm.s32 @!p0 $0x3  }
0x67: {  	_ =	swait.ge @!p0 [sflag:s0], s1  }
0x68: {  	s1 =	ssub.s32 @!p0 $0x0, s1;
	[sflag:s0] =	ssyncset.done @!p0 $0x0  }
0x69: {  	[sflag:s0] =	ssyncadd.s32 @!p0 s1  }
0x6a: {  	[bflag:$0x3] =	sbarrier.arrive $0xFFFF  }
0x6b: {  	_ =	shalt  }

// kernel: kernel.8.cloned.1.call-start
scs
__scs_entry_jumppad:
0x0: {  	(pc) =	sbr.rel $0x88, $3  }
0x1: {  	(tag) =	ssettag $0x0;
	lr =	simm.s32 $0x1  }
0x2: {  	[smem:$0x3F95] =	sst lr;
	_ =	strace $0xD0000000  }
0x3: {  	_ = 	snop  }
0x4: {  	_ = 	snop  }
0x5: {  	_ = 	snop  }
0x6: {  	_ = 	snop  }
0x7: {  	_ = 	snop  }
__scs_overlays_trampoline_lowered:
0x8: {  	[smem:$0x3FA4] =	sst s0  }
0x9: {  	[smem:$0x3FA5] =	sst s1  }
0xa: {  	[smem:$0x3FA6] =	sst s2  }
0xb: {  	[smem:$0x3FA7] =	sst s3  }
0xc: {  	[smem:$0x3FA8] =	sst s4  }
0xd: {  	[smem:$0x3FA9] =	sst s5  }
0xe: {  	[smem:$0x3FAA] =	sst s6  }
0xf: {  	[smem:$0x3FAB] =	sst s7  }
0x10: {  	[smem:$0x3FAC] =	sst s8  }
0x11: {  	[smem:$0x3FAD] =	sst s9;
	s0 =	simm.s32 @!p0 $0x0  }
0x12: {  	s1 =	sld [smem:$0x3F93];
	s0 =	simm.s32 @p0 $0x1  }
0x13: {  	[smem:$0x3FAE] =	sst s0;
	s0 =	simm.s32 @!p1 $0x0  }
0x14: {  	s2 =	sld [smem:$0x3F92];
	s0 =	simm.s32 @p1 $0x1  }
0x15: {  	[smem:$0x3FAF] =	sst s0;
	s0 =	simm.s32 @!p2 $0x0  }
0x16: {  	s3 =	sld [smem:$0x3FDB];
	s0 =	simm.s32 @p2 $0x1  }
0x17: {  	s4 =	simm.s32 $0x1BF5;
	[smem:$0x3FB1] =	sst s0  }
0x18: {  	s0 =	sld [smem:$0x3F94];
	_ =	swait.ge [sflag:s4], $0x0  }
0x19: {  	s7 =	sld [smem:$0x3F95]  }
0x1a: {  	s8 =	sadd.s32 $0xFFFFE003, lr  }
0x1b: {  	s9 =	sadd.s32 $0xFFFFFEF7, lr;
	s5 =	simm.s32 $0xFFFFFFFF;
	p2 =	slt.u32 s8, $0xFFFFF086  }
0x1c: {  	p1 =	slt.u32 s9, $0xF7A;
	s5 =	simm.s32 @!p2 $0x0  }
0x1d: {  	s5 =	simm.s32 @p1 $0x1;
	p0 =	seq.s32 s7, s2  }
0x1e: {  	s7 =	smul.u32 @!p0 $0xF7A, s2;
	p2 =	seq.s32 @!p0 s5, $0x0  }
0x1f: {  	s9 =	smul.u32 $0xF7A, s1;
	s8 =	simm.s32 @!p0 $0x1BF5;
	p2 =	por !p2, p0  }
0x20: {  	[sflag:s8] =	ssyncset.s32 @!p0 $0xFFFFF086;
	s6 =	sadd.s32 @!p0 s3, s7;
	s7 =	simm.s32 @!p0 $0x108  }
0x21: {  	s3 =	sadd.s32 s3, s9;
	s6 =	sadd.s32 @!p0 $0x88, s6;
	s7 =	simm.s32 @p2 $0x1082  }
0x22: {  	[simem:s7], [sflag:s8] =	dma.local @!p0 [hbm:s6], $0xF7A  }
0x23: {  	s9 =	sor.u32 $0xD0000000, s2;
	s6 =	simm.s32 $0x108;
	_ =	swait.ge @!p0 [sflag:s8], $0x0  }
0x24: {  	s3 =	sadd.s32 $0x88, s3;
	s6 =	simm.s32 @!p1 $0x1082;
	[sflag:s4] =	ssyncset.s32 $0xFFFFF086  }
0x25: {  	[simem:s6], [sflag:s4] =	dma.local [hbm:s3], $0xF7A  }
0x26: {  	[smem:$0x3F95] =	sst s1;
	(tag) =	ssettag s2;
	_ =	strace s9  }
0x27: {  	s1 =	sld [smem:$0x3FA5]  }
0x28: {  	s2 =	sld [smem:$0x3FA6]  }
0x29: {  	s4 =	sld [smem:$0x3FA8]  }
0x2a: {  	p0 =	seq.s32 s5, $0x0;
	s5 =	sld [smem:$0x3FA9]  }
0x2b: {  	s6 =	sld [smem:$0x3FAA]  }
0x2c: {  	s7 =	sld [smem:$0x3FAB]  }
0x2d: {  	s3 =	simm.s32 $0x108;
	s8 =	sld [smem:$0x3FAC]  }
0x2e: {  	s3 =	simm.s32 @!p0 $0x1082;
	s9 =	sld [smem:$0x3FAD]  }
0x2f: {  	lr =	sadd.s32 s0, s3;
	s0 =	sld [smem:$0x3FA4]  }
0x30: {  	s3 =	sld [smem:$0x3FA7]  }
0x31: {  	[smem:$0x3FB0] =	sst s10  }
0x32: {  	s10 =	sld [smem:$0x3FAE];
	_ =	sdelay $0x3  }
0x33: {  	p0 =	seq.s32 s10, $0x1;
	s10 =	sld [smem:$0x3FB0];
	_ =	sdelay $0x3  }
0x34: {  	[smem:$0x3FB0] =	sst s10  }
0x35: {  	s10 =	sld [smem:$0x3FAF];
	_ =	sdelay $0x3  }
0x36: {  	p1 =	seq.s32 s10, $0x1;
	s10 =	sld [smem:$0x3FB0];
	_ =	sdelay $0x3  }
0x37: {  	[smem:$0x3FB0] =	sst s10  }
0x38: {  	s10 =	sld [smem:$0x3FB1]  }
0x39: {  	_ = 	snop;
	(pc) =	sbr.ind lr, $3  }
0x3a: {  	_ = 	snop  }
0x3b: {  	_ = 	snop  }
0x3c: {  	p2 =	seq.s32 s10, $0x1;
	s10 =	sld [smem:$0x3FB0]  }
0x3d: {  	_ =	shalt  }
0x3e: {  	_ =	shalt  }
0x3f: {  	_ =	shalt  }
0x40: {  	_ =	shalt  }
0x41: {  	_ =	shalt  }
0x42: {  	_ =	shalt  }
0x43: {  	_ =	shalt  }
0x44: {  	_ =	shalt  }
0x45: {  	_ =	shalt  }
0x46: {  	_ =	shalt  }
0x47: {  	_ =	shalt  }
0x48: {  	_ =	shalt  }
0x49: {  	_ =	shalt  }
0x4a: {  	_ =	shalt  }
0x4b: {  	_ =	shalt  }
0x4c: {  	_ =	shalt  }
0x4d: {  	_ =	shalt  }
0x4e: {  	_ =	shalt  }
0x4f: {  	_ =	shalt  }
0x50: {  	_ =	shalt  }
0x51: {  	_ =	shalt  }
0x52: {  	_ =	shalt  }
0x53: {  	_ =	shalt  }
0x54: {  	_ =	shalt  }
0x55: {  	_ =	shalt  }
0x56: {  	_ =	shalt  }
0x57: {  	_ =	shalt  }
0x58: {  	_ =	shalt  }
0x59: {  	_ =	shalt  }
0x5a: {  	_ =	shalt  }
0x5b: {  	_ =	shalt  }
0x5c: {  	_ =	shalt  }
0x5d: {  	_ =	shalt  }
0x5e: {  	_ =	shalt  }
0x5f: {  	_ =	shalt  }
0x60: {  	_ =	shalt  }
0x61: {  	_ =	shalt  }
0x62: {  	_ =	shalt  }
0x63: {  	_ =	shalt  }
0x64: {  	_ =	shalt  }
0x65: {  	_ =	shalt  }
0x66: {  	_ =	shalt  }
0x67: {  	_ =	shalt  }
0x68: {  	_ =	shalt  }
0x69: {  	_ =	shalt  }
0x6a: {  	_ =	shalt  }
0x6b: {  	_ =	shalt  }
0x6c: {  	_ =	shalt  }
0x6d: {  	_ =	shalt  }
0x6e: {  	_ =	shalt  }
0x6f: {  	_ =	shalt  }
0x70: {  	_ =	shalt  }
0x71: {  	_ =	shalt  }
0x72: {  	_ =	shalt  }
0x73: {  	_ =	shalt  }
0x74: {  	_ =	shalt  }
0x75: {  	_ =	shalt  }
0x76: {  	_ =	shalt  }
0x77: {  	_ =	shalt  }
0x78: {  	_ =	shalt  }
0x79: {  	_ =	shalt  }
0x7a: {  	_ =	shalt  }
0x7b: {  	_ =	shalt  }
0x7c: {  	_ =	shalt  }
0x7d: {  	_ =	shalt  }
0x7e: {  	_ =	shalt  }
0x7f: {  	_ =	shalt  }
0x80: {  	_ =	shalt  }
0x81: {  	_ =	shalt  }
0x82: {  	_ =	shalt  }
0x83: {  	_ =	shalt  }
0x84: {  	_ =	shalt  }
0x85: {  	_ =	shalt  }
0x86: {  	_ =	shalt  }
0x87: {  	_ =	shalt  }
.Lfunc_end0:
.L_simem_size_0:
called_computation_lowered:
.L_overlay_start_0:
0x88: {  	s2 =	sld [smem:$0x3FD9]  }
0x89: {  	s3 =	sld [smem:$0x3FFE];
	_ =	sdelay $0x1  }
0x8a: {  	s1 =	srdreg.scid  }
0x8b: {  	s0 =	sand.u32 $0x1, s1  }
0x8c: {  	s16 =	sshll.u32 s0, $0xA;
	s2 =	sadd.s32 s3, s2  }
0x8d: {  	s2 =	sadd.s32 s2, s16  }
0x8e: {  	[smem:$0x3FBC] =	sst s2  }
0x8f: {  	_ = 	snop  }
0x90: {  	(tm) =	ssettm $0x1  }
0x91: {  	s17 =	sld [smem:$0x3FFB];
	_ =	sdelay $0x3  }
0x92: {  	_ =	strace s17  }
0x93: {  	s2 =	sld [smem:$0x3FFC];
	_ =	sdelay $0x3  }
0x94: {  	_ =	strace s2  }
0x95: {  	s2 =	sld [smem:$0x3FFD];
	_ =	sdelay $0x3  }
0x96: {  	_ =	strace s2  }
0x97: {  	_ =	strace $0x8FFFFFFF  }
0x98: {  	s18 =	sld [smem:$0x3FDB];
	_ =	sdelay $0x1  }
0x99: {  	s19 =	simm.s32 $_scs_section_size  }
0x9a: {  	s4 =	simm.s32 $_size__tile_overlayer_lowered;
	s5 =	simm.s32 $_tile_overlayer_lowered  }
0x9b: {  	s22 =	simm.s32 $0x1BFF;
	s21 =	sshll.u32 s5, $0x1;
	s2 =	sadd.s32 s19, s18  }
0x9c: {  	s6 =	simm.s32 $0x0;
	s20 =	sshll.u32 s4, $0x1;
	s4 =	sadd.s32 s21, s2  }
0x9d: {  	[timem:s6], [sflag:s22] =	dma.local [hbm:s4], s20  }
0x9e: {  	_ =	swait.ge [sflag:s22], s20  }
0x9f: {  	s3 =	ssub.s32 $0x0, s20;
	[sflag:s22] =	ssyncset.done $0x0  }
0xa0: {  	[sflag:s22] =	ssyncadd.s32 s3;
	_ =	sdelay $0x1  }
0xa1: {  	s23 =	simm.s32 $0x1B8B  }
0xa2: {  	_ =	swait.ge [sflag:s23], $0x1  }
0xa3: {  	[sflag:s23] =	ssyncset.done $0x0  }
0xa4: {  	s25 =	simm.s32 $0x1B8E;
	s24 =	sld [smem:$0x3FFE];
	[sflag:s23] =	ssyncadd.s32 $0xFFFFFFFF  }
0xa5: {  	s26 =	simm.s32 $execute0_lowered;
	[smem:$0x3FD2] =	sst s25  }
0xa6: {  	s4 =	sshll.u32 s26, $0x1;
	_ =	strace $0x80000046;
	[dreg:$0x1] =	wrdreg $0xFFFFFFFF  }
0xa7: {  	s28 =	simm.s32 $_size_execute0_lowered;
	s2 =	sadd.s32 s2, s4;
	[dreg:$0x0] =	wrdreg $0x0  }
0xa8: {  	s4 =	sshll.u32 s28, $0x1;
	[dreg:$0x2] =	wrdreg s2  }
0xa9: {  	[dreg:$0x3] =	wrdreg s4  }
0xaa: {  	[dreg:$0x4] =	wrdreg $0xC0  }
0xab: {  	_ =	task [dreg:s6], $0x5FFFF  }
0xac: {  	[dreg:$0x1] =	wrdreg $0xFFFFFFFF  }
0xad: {  	[dreg:$0x0] =	wrdreg $0x60  }
0xae: {  	[dreg:$0x2] =	wrdreg s24  }
0xaf: {  	[dreg:$0x3] =	wrdreg $0xDD000  }
0xb0: {  	[dreg:$0x4] =	wrdreg $0x9  }
0xb1: {  	_ =	task.clear_ibuf [dreg:s6], $0x5FFFF;
	_ =	strace $0x90000046  }
0xb2: {  	s29 =	simm.s32 $0x9;
	_ =	strace $0x80000048  }
0xb3: {  	_ =	swait.ge [sflag:s29], $0x1  }
0xb4: {  	[sflag:s29] =	ssyncadd.s32 $0xFFFFFFFF  }
0xb5: {  	_ =	strace $0x90000048  }
0xb6: {  	_ =	sfence  }
0xb7: {  	s30 =	sld [smem:$0x0];
	_ =	sdelay $0x2  }
0xb8: {  	s31 =	sshll.u32 s1, $0xD;
	s1 =	sshrl.u32 s1, $0x2  }
0xb9: {  	s3 =	sand.u32 $0x4000, s31;
	s1 =	sadd.s32 s1, s30  }
0xba: {  	s0 =	sor.u32 s3, s0;
	s1 =	sshll.u32 s1, $0x11  }
0xbb: {  	s0 =	sor.u32 s1, s0  }
0xbc: {  	s0 =	sadd.s32 $0x8F2B, s0  }
0xbd: {  	[sflag:s0] =	ssyncadd.remote.s32 $0x1  }
0xbe: {  	_ =	sfence.sel $0xFFFF  }
0xbf: {  	[dreg:$0x0] =	wrdreg $0xFFFFFFFF;
	(pc) =	sbr.abs _section_cstart, $3  }
0xc0: {  	[dreg:$0x1] =	wrdreg $0xFFFFFFFF  }
0xc1: {  	_ =	task.clear_ibuf [dreg:s6], $0x2FFFF;
	_ =	strace $0x9FFFFFFF  }
0xc2: {  	(tm) =	ssettm $0x7FFFFFFF  }
0xc3: {  	_ =	shalt  }
tec
execute0_lowered:
.L_overlay_start_1:
0x0: {  	(tag) =	ssettag $0x1  }
0x1: {  	s6 =	rddreg [dreg:$0x0]  }
0x2: {  	s2 =	rddreg [dreg:$0x1]  }
0x3: {  	s0 =	rddreg [dreg:$0x2]  }
0x4: {  	s1 =	stileid.u32;
	s4 =	srdreg.scid  }
0x5: {  	s3 =	simm.s32 $0x0;
	s15 =	simm.s32 $0x80;
	s16 =	simm.s32 $0x9D00  }
0x6: {  	s17 =	simm.s32 $0xBD00;
	s18 =	simm.s32 $0x1;
	s19 =	simm.s32 $0x4  }
0x7: {  	s20 =	simm.s32 $0x2;
	s21 =	simm.s32 $0x9C80;
	s7 =	smul.u32 $0x9D0, s1  }
0x8: {  	s22 =	simm.s32 $0x0;
	s8 =	smul.u32 $0xA000, s1;
	s10 =	sand.u32 $0x1, s4  }
0x9: {  	[smem:$0x7FF] =	sst s3;
	s4 =	sadd.s32 $0x16000, s6;
	s5 =	sadd.s32 $0x2000, s6  }
0xa: {  	s31 =	sshll.u32 s1, $0x6;
	s9 =	smul.u32 $0xA0000, s10;
	_ =	strace $0x80000047  }
0xb: {  	s12 =	ssub.s32 $0x2, s10;
	p0 =	seq.s32 s10, $0x1;
	s11 =	sadd.s32 s7, s6  }
0xc: {  	s29 =	sshrl.u32 s8, $0x3;
	s30 =	sshrl.u32 s12, $0x1;
	s14 =	sadd.s32 s8, s2  }
.Ltmp0:
0xd: {  	s28 =	sadd.s32 s8, s9;
	s9 =	sadd.s32 s29, s6;
	(pc) =	sbr.rel .LBB2_1-.Ltmp0, $4  }
0xe: {  	s12 =	ssub.s32 s12, s30;
	s8 =	sadd.s32 $0x33E00, s11;
	s7 =	sshrl.u32 s28, $0x3  }
0xf: {  	s13 =	sadd.s32 s7, s6;
	s6 =	sadd.s32 $0x3DC00, s9;
	s7 =	sor.u32 $0x1C03, s31  }
0x10: {  	s9 =	sadd.s32 $0x2A000, s11;
	s11 =	smax.u32 s12, $0x1;
	s12 =	sshrl.u32 s14, $0x3  }
0x11: {  	s14 =	simm.s32 $0x4E80;
	s10 =	sadd.s32 $0x51C00, s13;
	s13 =	simm.s32 $0x3  }
.LBB2_7:
0x12: {  	s24 =	sadd.s32 $0x80, s23;
	[sflag:s13] =	ssyncadd.s32 $0xFFFFE000  }
0x13: {  	[tilespmem:s17], [sflag:$0x2] =	stream.indirect.gather [hbm4b:s5+s15], $0x40, s24, s15, $0xb8;
	[tilespmem:$0x17D00] =	vst v63  }
0x14: {  	_ =	swait.ge [sflag:s18], $0x2000  }
0x15: {  	[sflag:s18] =	ssyncset.done $0x0  }
0x16: {  	s29 =	sadd.s32 $0x4E80, s23;
	[sflag:s18] =	ssyncadd.s32 $0xFFFFE000  }
0x17: {  	[spmem:s2] =	stream.indirect.scatter.add.f32 [tilespmem:s16], [sflag:$0x4], $0x40, s29, s15, $0xb8;
	[tilespmem:$0x17D00] =	vst v63  }
0x18: {  	_ =	swait.ge [sflag:s19], $0x2000  }
0x19: {  	[sflag:s19] =	ssyncset.done $0x0  }
0x1a: {  	s30 =	sadd.s32 $0x100, s23;
	[sflag:s19] =	ssyncadd.s32 $0xFFFFE000  }
0x1b: {  	[tilespmem:s16], [sflag:$0x1] =	stream.indirect.gather [hbm4b:s5+s15], $0x40, s30, s15, $0xb8;
	[tilespmem:$0x17D00] =	vst v63  }
0x1c: {  	_ =	swait.ge [sflag:s20], $0x2000  }
0x1d: {  	[sflag:s20] =	ssyncset.done $0x0  }
0x1e: {  	s31 =	sadd.s32 $0x4F00, s23;
	[sflag:s20] =	ssyncadd.s32 $0xFFFFE000  }
0x1f: {  	[spmem:s2] =	stream.indirect.scatter.add.f32 [tilespmem:s17], [sflag:$0x3], $0x40, s31, s15, $0xb8;
	[tilespmem:$0x17D00] =	vst v63  }
0x20: {  	_ =	swait.ge [sflag:s13], $0x2000  }
0x21: {  	[sflag:s13] =	ssyncset.done $0x0  }
0x22: {  	[sflag:s13] =	ssyncadd.s32 $0xFFFFE000  }
0x23: {  	_ =	swait.ge [sflag:s18], $0x2000  }
0x24: {  	[sflag:s18] =	ssyncset.done $0x0  }
0x25: {  	[sflag:s18] =	ssyncadd.s32 $0xFFFFE000  }
0x26: {  	[spmem:s2] =	stream.indirect.scatter.add.f32 [tilespmem:s16], [sflag:$0x4], $0x40, s21, s15, $0xb8;
	[tilespmem:$0x17D00] =	vst v63  }
.LBB2_8:
0x27: {  	_ =	swait.ge [sflag:s19], $0x2000  }
0x28: {  	s22 =	sadd.s32 $0x1, s22;
	[sflag:s19] =	ssyncset.done $0x0  }
0x29: {  	p1 =	sne.s32 s22, s11;
	[sflag:s19] =	ssyncadd.s32 $0xFFFFE000  }
.Ltmp1:
0x2a: {  	[bflag:$0x0] =	sbarrier.arrive $0xFFFF;
	(pc) =	sbr.rel @!p1 .LBB2_9-.Ltmp1, $4  }
0x2b: {  	[hbm:s10], [sflag:s7] =	dma.local [spmem:s12], $0x1400  }
0x2c: {  	_ =	swait.ge [sflag:s13], $0x1400  }
0x2d: {  	[sflag:s13] =	ssyncset.done $0x0  }
0x2e: {  	[sflag:s13] =	ssyncadd.s32 $0xFFFFEC00  }
.LBB2_1:
0x2f: {  	[spmem:s12], [sflag:s7] =	dma.local [hbm:s6], $0x1400  }
0x30: {  	_ =	swait.ge [sflag:s13], $0x1400  }
0x31: {  	[sflag:s13] =	ssyncset.done $0x0  }
0x32: {  	[sflag:s13] =	ssyncadd.s32 $0xFFFFEC00  }
0x33: {  	[tilespmem:s3], [sflag:$0x3] =	stream.linear.gather [hbm4b:s8+s3], $0x4E80, $0x38;
	[tilespmem:$0x17D00] =	vst v63  }
0x34: {  	_ =	swait.ge [sflag:s13], $0x4E80  }
0x35: {  	[sflag:s13] =	ssyncset.done $0x0  }
0x36: {  	[sflag:s13] =	ssyncadd.s32 $0xFFFFB180  }
0x37: {  	[tilespmem:s14], [sflag:$0x3] =	stream.linear.gather [hbm4b:s9+s3], $0x4E80, $0x38;
	[tilespmem:$0x17D00] =	vst v63  }
.Ltmp2:
0x38: {  	_ =	swait.ge [sflag:s13], $0x4E80;
	(pc) =	sbr.rel @!p0 .LBB2_2-.Ltmp2, $4  }
0x39: {  	[sflag:s13] =	ssyncset.done $0x0  }
0x3a: {  	[sflag:s13] =	ssyncadd.s32 $0xFFFFB180  }
0x3b: {  	[bflag:$0x0] =	sbarrier.arrive $0xFFFF  }
0x3c: {  	s23 =	simm.s32 $0x0  }
0x3d: {  	[tilespmem:s16], [sflag:$0x1] =	stream.indirect.gather [hbm4b:s5+s15], $0x40, s23, s15, $0xb8;
	[tilespmem:$0x17D00] =	vst v63  }
0x3e: {  	s28 =	simm.s32 $0x80  }
0x3f: {  	[tilespmem:s17], [sflag:$0x2] =	stream.indirect.gather [hbm4b:s5+s15], $0x40, s28, s15, $0xb8;
	[tilespmem:$0x17D00] =	vst v63  }
0x40: {  	_ =	swait.ge [sflag:s18], $0x2000  }
0x41: {  	[sflag:s18] =	ssyncset.done $0x0  }
0x42: {  	s29 =	simm.s32 $0x4E80;
	[sflag:s18] =	ssyncadd.s32 $0xFFFFE000  }
0x43: {  	[spmem:s2] =	stream.indirect.scatter.add.f32 [tilespmem:s16], [sflag:$0x4], $0x40, s29, s15, $0xb8;
	[tilespmem:$0x17D00] =	vst v63  }
0x44: {  	_ =	swait.ge [sflag:s19], $0x2000  }
0x45: {  	[sflag:s19] =	ssyncset.done $0x0  }
0x46: {  	s30 =	simm.s32 $0x100;
	[sflag:s19] =	ssyncadd.s32 $0xFFFFE000  }
0x47: {  	[tilespmem:s16], [sflag:$0x1] =	stream.indirect.gather [hbm4b:s5+s15], $0x40, s30, s15, $0xb8;
	[tilespmem:$0x17D00] =	vst v63  }
0x48: {  	_ =	swait.ge [sflag:s20], $0x2000  }
0x49: {  	[sflag:s20] =	ssyncset.done $0x0  }
0x4a: {  	s31 =	simm.s32 $0x4F00;
	[sflag:s20] =	ssyncadd.s32 $0xFFFFE000  }
0x4b: {  	[spmem:s2] =	stream.indirect.scatter.add.f32 [tilespmem:s17], [sflag:$0x3], $0x40, s31, s15, $0xb8;
	[tilespmem:$0x17D00] =	vst v63  }
0x4c: {  	_ =	swait.ge [sflag:s13], $0x2000  }
0x4d: {  	s24 =	simm.s32 $0x800;
	s23 =	simm.s32 $0x100;
	[sflag:s13] =	ssyncset.done $0x0  }
.LBB2_6:
0x4e: {  	s25 =	sadd.s32 $0x80, s23  }
0x4f: {  	[sflag:s13] =	ssyncadd.s32 $0xFFFFE000;
	s26 =	smov.u32 s24;
	s28 =	sadd.s32 $0x400, s24  }
0x50: {  	[tilespmem:s17], [sflag:$0x2] =	stream.indirect.gather [hbm4b:s5+s15], $0x40, s25, s15, $0xb8;
	[tilespmem:$0x17D00] =	vst v63  }
0x51: {  	p1 =	sne.s32 s24, $0x13400;
	_ =	swait.ge [sflag:s18], $0x2000  }
0x52: {  	[sflag:s18] =	ssyncset.done $0x0  }
0x53: {  	s24 =	sadd.s32 $0x4E80, s23;
	[sflag:s18] =	ssyncadd.s32 $0xFFFFE000  }
0x54: {  	[spmem:s2] =	stream.indirect.scatter.add.f32 [tilespmem:s16], [sflag:$0x4], $0x40, s24, s15, $0xb8;
	[tilespmem:$0x17D00] =	vst v63  }
0x55: {  	_ =	swait.ge [sflag:s19], $0x2000  }
0x56: {  	[sflag:s19] =	ssyncset.done $0x0  }
0x57: {  	s24 =	sadd.s32 $0x100, s23;
	[sflag:s19] =	ssyncadd.s32 $0xFFFFE000  }
0x58: {  	[tilespmem:s16], [sflag:$0x1] =	stream.indirect.gather [hbm4b:s5+s15], $0x40, s24, s15, $0xb8;
	[tilespmem:$0x17D00] =	vst v63  }
0x59: {  	_ =	swait.ge [sflag:s20], $0x2000  }
.Ltmp3:
0x5a: {  	[sflag:s20] =	ssyncset.done $0x0;
	(pc) =	sbr.rel @p1 .LBB2_6-.Ltmp3, $4  }
0x5b: {  	s23 =	sadd.s32 $0x4F00, s23;
	[sflag:s20] =	ssyncadd.s32 $0xFFFFE000  }
0x5c: {  	[spmem:s2] =	stream.indirect.scatter.add.f32 [tilespmem:s17], [sflag:$0x3], $0x40, s23, s15, $0xb8;
	[tilespmem:$0x17D00] =	vst v63  }
0x5d: {  	_ =	swait.ge [sflag:s13], $0x2000  }
0x5e: {  	s24 =	smov.u32 s28;
	s23 =	sshra.s32 s26, $0x2;
	[sflag:s13] =	ssyncset.done $0x0  }
.Ltmp4:
0x5f: {  	_ = 	snop;
	(pc) =	sbr.rel .LBB2_7-.Ltmp4, $1  }
0x60: {  	_ =	sdelay $0x3  }
.LBB2_2:
0x61: {  	[tilespmem:s16], [sflag:$0x1] =	stream.indirect.gather [hbm4b:s4+s15], $0x40, s23, s15, $0xb8;
	[tilespmem:$0x17D00] =	vst v63  }
0x62: {  	s28 =	simm.s32 $0x80  }
0x63: {  	[tilespmem:s17], [sflag:$0x2] =	stream.indirect.gather [hbm4b:s4+s15], $0x40, s28, s15, $0xb8;
	[tilespmem:$0x17D00] =	vst v63  }
0x64: {  	_ =	swait.ge [sflag:s18], $0x2000  }
0x65: {  	[sflag:s18] =	ssyncset.done $0x0  }
0x66: {  	s29 =	simm.s32 $0x4E80;
	[sflag:s18] =	ssyncadd.s32 $0xFFFFE000  }
0x67: {  	[spmem:s2] =	stream.indirect.scatter.add.f32 [tilespmem:s16], [sflag:$0x4], $0x40, s29, s15, $0xb8;
	[tilespmem:$0x17D00] =	vst v63  }
0x68: {  	_ =	swait.ge [sflag:s19], $0x2000  }
0x69: {  	[sflag:s19] =	ssyncset.done $0x0  }
0x6a: {  	s30 =	simm.s32 $0x100;
	[sflag:s19] =	ssyncadd.s32 $0xFFFFE000  }
0x6b: {  	[tilespmem:s16], [sflag:$0x1] =	stream.indirect.gather [hbm4b:s4+s15], $0x40, s30, s15, $0xb8;
	[tilespmem:$0x17D00] =	vst v63  }
0x6c: {  	_ =	swait.ge [sflag:s20], $0x2000  }
0x6d: {  	[sflag:s20] =	ssyncset.done $0x0  }
0x6e: {  	s31 =	simm.s32 $0x4F00;
	[sflag:s20] =	ssyncadd.s32 $0xFFFFE000  }
0x6f: {  	[spmem:s2] =	stream.indirect.scatter.add.f32 [tilespmem:s17], [sflag:$0x3], $0x40, s31, s15, $0xb8;
	[tilespmem:$0x17D00] =	vst v63  }
0x70: {  	_ =	swait.ge [sflag:s13], $0x2000  }
0x71: {  	s24 =	simm.s32 $0x800;
	s23 =	simm.s32 $0x100;
	[sflag:s13] =	ssyncset.done $0x0  }
.LBB2_3:
0x72: {  	s25 =	sadd.s32 $0x80, s23  }
0x73: {  	[sflag:s13] =	ssyncadd.s32 $0xFFFFE000;
	s26 =	smov.u32 s24;
	s28 =	sadd.s32 $0x400, s24  }
0x74: {  	[tilespmem:s17], [sflag:$0x2] =	stream.indirect.gather [hbm4b:s4+s15], $0x40, s25, s15, $0xb8;
	[tilespmem:$0x17D00] =	vst v63  }
0x75: {  	p1 =	seq.s32 s24, $0x13400;
	_ =	swait.ge [sflag:s18], $0x2000  }
0x76: {  	[sflag:s18] =	ssyncset.done $0x0  }
0x77: {  	s24 =	sadd.s32 $0x4E80, s23;
	[sflag:s18] =	ssyncadd.s32 $0xFFFFE000  }
0x78: {  	[spmem:s2] =	stream.indirect.scatter.add.f32 [tilespmem:s16], [sflag:$0x4], $0x40, s24, s15, $0xb8;
	[tilespmem:$0x17D00] =	vst v63  }
0x79: {  	_ =	swait.ge [sflag:s19], $0x2000  }
0x7a: {  	[sflag:s19] =	ssyncset.done $0x0  }
0x7b: {  	s24 =	sadd.s32 $0x100, s23;
	[sflag:s19] =	ssyncadd.s32 $0xFFFFE000  }
0x7c: {  	[tilespmem:s16], [sflag:$0x1] =	stream.indirect.gather [hbm4b:s4+s15], $0x40, s24, s15, $0xb8;
	[tilespmem:$0x17D00] =	vst v63  }
0x7d: {  	_ =	swait.ge [sflag:s20], $0x2000  }
.Ltmp5:
0x7e: {  	[sflag:s20] =	ssyncset.done $0x0;
	(pc) =	sbr.rel @!p1 .LBB2_3-.Ltmp5, $4  }
0x7f: {  	s23 =	sadd.s32 $0x4F00, s23;
	[sflag:s20] =	ssyncadd.s32 $0xFFFFE000  }
0x80: {  	[spmem:s2] =	stream.indirect.scatter.add.f32 [tilespmem:s17], [sflag:$0x3], $0x40, s23, s15, $0xb8;
	[tilespmem:$0x17D00] =	vst v63  }
0x81: {  	_ =	swait.ge [sflag:s13], $0x2000  }
0x82: {  	s24 =	smov.u32 s28;
	s23 =	sshra.s32 s26, $0x2;
	[sflag:s13] =	ssyncset.done $0x0  }
0x83: {  	s24 =	sadd.s32 $0x80, s23;
	[sflag:s13] =	ssyncadd.s32 $0xFFFFE000  }
0x84: {  	[tilespmem:s17], [sflag:$0x2] =	stream.indirect.gather [hbm4b:s4+s15], $0x40, s24, s15, $0xb8;
	[tilespmem:$0x17D00] =	vst v63  }
0x85: {  	_ =	swait.ge [sflag:s18], $0x2000  }
0x86: {  	[sflag:s18] =	ssyncset.done $0x0  }
0x87: {  	s29 =	sadd.s32 $0x4E80, s23;
	[sflag:s18] =	ssyncadd.s32 $0xFFFFE000  }
0x88: {  	[spmem:s2] =	stream.indirect.scatter.add.f32 [tilespmem:s16], [sflag:$0x4], $0x40, s29, s15, $0xb8;
	[tilespmem:$0x17D00] =	vst v63  }
0x89: {  	_ =	swait.ge [sflag:s19], $0x2000  }
0x8a: {  	[sflag:s19] =	ssyncset.done $0x0  }
0x8b: {  	s30 =	sadd.s32 $0x100, s23;
	[sflag:s19] =	ssyncadd.s32 $0xFFFFE000  }
0x8c: {  	[tilespmem:s16], [sflag:$0x1] =	stream.indirect.gather [hbm4b:s4+s15], $0x40, s30, s15, $0xb8;
	[tilespmem:$0x17D00] =	vst v63  }
0x8d: {  	_ =	swait.ge [sflag:s20], $0x2000  }
0x8e: {  	[sflag:s20] =	ssyncset.done $0x0  }
0x8f: {  	s31 =	sadd.s32 $0x4F00, s23;
	[sflag:s20] =	ssyncadd.s32 $0xFFFFE000  }
0x90: {  	[spmem:s2] =	stream.indirect.scatter.add.f32 [tilespmem:s17], [sflag:$0x3], $0x40, s31, s15, $0xb8;
	[tilespmem:$0x17D00] =	vst v63  }
0x91: {  	_ =	swait.ge [sflag:s13], $0x2000  }
0x92: {  	[sflag:s13] =	ssyncset.done $0x0  }
.Ltmp6:
0x93: {  	[sflag:s13] =	ssyncadd.s32 $0xFFFFE000;
	(pc) =	sbr.rel .LBB2_8-.Ltmp6, $4  }
0x94: {  	_ =	swait.ge [sflag:s18], $0x2000  }
0x95: {  	[sflag:s18] =	ssyncset.done $0x0  }
0x96: {  	[sflag:s18] =	ssyncadd.s32 $0xFFFFE000  }
0x97: {  	[spmem:s2] =	stream.indirect.scatter.add.f32 [tilespmem:s16], [sflag:$0x4], $0x40, s21, s15, $0xb8;
	[tilespmem:$0x17D00] =	vst v63  }
.LBB2_9:
0x98: {  	_ =	sfence.sel $0x180000  }
0x99: {  	[bflag:$0x0] =	sbarrier.arrive $0xFFFF  }
0x9a: {  	p0 =	sne.s32 s1, $0x0;
	_ =	strace $0x90000047  }
0x9b: {  	s0 =	sadd.s32 @!p0 $0x100000, s0;
	[bflag:$0x2] =	sbarrier.arrive $0xFFFF  }
0x9c: {  	[sflag:s0] =	ssyncadd.tile.s32 @!p0 $0x1;
	_ =	shalt  }
.Lfunc_end2:
_tile_overlayer_lowered:
.L_overlay_start_2:
0x9d: {  	(tag) =	ssettag $0x2  }
0x9e: {  	s0 =	rddreg [dreg:$0x0];
	s2 =	stileid.u32  }
0x9f: {  	s1 =	rddreg [dreg:$0x1];
	p0 =	sne.s32 s2, $0x0  }
0xa0: {  	s3 =	rddreg [dreg:$0x2];
	[bflag:$0x3] =	sbarrier.arrive $0xFFFF;
	s2 =	simm.s32 @!p0 $0x1C03  }
0xa1: {  	[timem:s3], [sflag:s2] =	dma.local @!p0 [hbm:s0], s1  }
0xa2: {  	s0 =	simm.s32 @!p0 $0x3  }
0xa3: {  	_ =	swait.ge @!p0 [sflag:s0], s1  }
0xa4: {  	s1 =	ssub.s32 @!p0 $0x0, s1;
	[sflag:s0] =	ssyncset.done @!p0 $0x0  }
0xa5: {  	[sflag:s0] =	ssyncadd.s32 @!p0 s1  }
0xa6: {  	[bflag:$0x3] =	sbarrier.arrive $0xFFFF  }
0xa7: {  	_ =	shalt  }

</sc_bundles>
